<compile_context>
chip_gen: v7x
topology: tpu7x:2x2x1
jax: 0.10.2.dev20260603
libtpu: 0.0.44.dev20260713+nightly
codegen_flags: <defaults>
</compile_context>

<pallas_src>
import functools

import jax
import jax.numpy as jnp
from jax import lax
from jax.experimental import pallas as pl
from jax.experimental.pallas import tpu as pltpu
from jax.experimental.pallas import tpu_sc as plsc



_LOG2E = 1.4426950408889634
_LN2 = 0.6931471805599453


def _scan_body(w_ref, b_ref, out_ref, acc_ref):
    j = pl.program_id(0)
    nv = pl.num_programs(0)

    @pl.when(j == 0)
    def _init():
        acc_ref[...] = jnp.concatenate(
            [jnp.full((1, 2), -3.0e38, jnp.float32),
             jnp.full((1, 2), 3.0e38, jnp.float32)], axis=1)

    w = w_ref[...].astype(jnp.float32)
    rn = jnp.sum(w * w, axis=1, keepdims=True)
    tmax = jnp.max(rn).reshape(1, 1)
    bmax = jnp.max(b_ref[...]).reshape(1, 1)
    bmin = jnp.min(b_ref[...]).reshape(1, 1)
    prev = acc_ref[...]
    acc_ref[...] = jnp.concatenate(
        [jnp.maximum(prev[:, 0:1], tmax), jnp.maximum(prev[:, 1:2], bmax),
         jnp.minimum(prev[:, 2:3], bmin), prev[:, 3:4]],
        axis=1)

    @pl.when(j == nv - 1)
    def _fin():
        a = acc_ref[...]
        wmax = jnp.sqrt(a[:, 0:1]) * 1.05
        out_ref[...] = jnp.concatenate(
            [wmax, a[:, 1:2], a[:, 2:3], a[:, 3:4]], axis=1)


def _w_scan(w16, bpad, vt):
    vp, d = w16.shape
    nv = vp // vt
    return pl.pallas_call(
        _scan_body,
        grid=(nv,),
        in_specs=[
            pl.BlockSpec((vt, d), lambda j: (j, 0)),
            pl.BlockSpec((1, vt), lambda j: (0, j)),
        ],
        out_specs=pl.BlockSpec((1, 4), lambda j: (0, 0)),
        out_shape=jax.ShapeDtypeStruct((1, 4), jnp.float32),
        scratch_shapes=[pltpu.VMEM((1, 4), jnp.float32)],
        compiler_params=pltpu.CompilerParams(
            dimension_semantics=("arbitrary",)),
    )(w16, bpad)


def _norm_body(x_ref, wm_ref, out_ref):
    x = x_ref[...].astype(jnp.float32)
    en2 = jnp.max(jnp.sum(x * x, axis=1, keepdims=True))
    beta = jnp.sqrt(en2) * wm_ref[0, 0] + wm_ref[0, 1]
    m = jnp.maximum(beta - 100.0, 0.0)
    fast = jnp.where(
        (m == 0.0) & (wm_ref[0, 1] == 0.0) & (wm_ref[0, 2] == 0.0), 1.0, 0.0)
    out_ref[...] = jnp.concatenate(
        [m.reshape(1, 1), fast.reshape(1, 1)], axis=1)


def _x_norm(x16, wm):
    b, d = x16.shape
    return pl.pallas_call(
        _norm_body,
        out_shape=jax.ShapeDtypeStruct((1, 2), jnp.float32),
    )(x16, wm)


def _tc_body(x_ref, w_ref, b_ref, wc_ref, bcg_ref, cen_ref, m_ref, out_ref,
             s_ref):
    j = pl.program_id(0)
    nv = pl.num_programs(0)
    vt = w_ref.shape[0]

    @pl.when(j == 0)
    def _init():
        s_ref[...] = jnp.zeros(s_ref.shape, jnp.float32)

    x = x_ref[...]
    w = w_ref[...]
    l2 = lax.dot_general(x, w, (((1,), (1,)), ((), ())),
                         preferred_element_type=jnp.float32)

    def _fold_acc(e):
        acc = e[:, 0:128]
        for t in range(1, vt // 128):
            acc = acc + e[:, t * 128:(t + 1) * 128]
        s_ref[...] += acc

    _fold_acc(jnp.exp2(l2 + b_ref[...]))

    @pl.when(j == nv - 1)
    def _fin():
        row = jnp.sum(s_ref[...], axis=1, keepdims=True)
        lse2 = jnp.log2(row) + m_ref[0, 0]
        xw = x_ref[...].astype(jnp.float32) * wc_ref[...]
        bg = bcg_ref[...]
        lane = cen_ref[...] & 127
        li = lax.broadcasted_iota(jnp.int32, bg.shape, 1)
        bc = jnp.sum(jnp.where(li == lane, bg, 0.0), axis=1, keepdims=True)
        xdot2 = jnp.sum(xw, axis=1, keepdims=True)
        out_ref[...] = jnp.mean(
            _LN2 * (lse2 - xdot2) - bc).reshape(1, 1)


def _tc_loss(x16, w16, b2m, wc, bcg, cen2, m, vt):
    b, d = x16.shape
    vp = w16.shape[0]
    nv = vp // vt
    return pl.pallas_call(
        _tc_body,
        grid=(nv,),
        in_specs=[
            pl.BlockSpec((b, d), lambda j: (0, 0)),
            pl.BlockSpec((vt, d), lambda j: (j, 0)),
            pl.BlockSpec((1, vt), lambda j: (0, j)),
            pl.BlockSpec((b, d), lambda j: (0, 0)),
            pl.BlockSpec((b, 128), lambda j: (0, 0)),
            pl.BlockSpec((b, 1), lambda j: (0, 0)),
            pl.BlockSpec((1, 2), lambda j: (0, 0)),
        ],
        out_specs=pl.BlockSpec((1, 1), lambda j: (0, 0)),
        out_shape=jax.ShapeDtypeStruct((1, 1), jnp.float32),
        scratch_shapes=[
            pltpu.VMEM((b, 128), jnp.float32),
        ],
        compiler_params=pltpu.CompilerParams(
            dimension_semantics=("arbitrary",)),
    )(x16, w16, b2m, wc, bcg, cen2, m)



def _make_sc_gather(b, ctx, d, nw):
    rb = b // nw
    sr = 640 // ctx
    nsc = rb // sr
    ng = d // 16
    mesh = plsc.VectorSubcoreMesh(core_axis_name="c", subcore_axis_name="s")

    @functools.partial(
        pl.kernel,
        mesh=mesh,
        out_type=[
            jax.ShapeDtypeStruct((b * d,), jnp.float32),
            jax.ShapeDtypeStruct((b, d), jnp.float32),
            jax.ShapeDtypeStruct((b, 128), jnp.float32),
        ],
        scratch_types=[
            pltpu.VMEM((rb * ctx,), jnp.int32),
            pltpu.VMEM((rb,), jnp.int32),
            pltpu.VMEM((rb,), jnp.int32),
            pltpu.VMEM((640, d), jnp.float32),
            pltpu.VMEM((sr * d,), jnp.float32),
            pltpu.VMEM((rb, d), jnp.float32),
            pltpu.VMEM((rb, 128), jnp.float32),
            pltpu.SemaphoreType.DMA,
            pltpu.SemaphoreType.DMA,
        ],
    )
    def sc(ctx_hbm, cen_hbm, syn0_hbm, w_hbm, b16_hbm,
           emb_out, wc_out, bcg_out,
           idx_v, cidx_v, crow_v, buf, stage, wc_v, bcg_v, sem, sem2):
        wid = lax.axis_index("c") * (nw // 2) + lax.axis_index("s")
        base = wid * rb

        pltpu.sync_copy(ctx_hbm.at[pl.ds(base * ctx, rb * ctx)], idx_v)
        pltpu.sync_copy(cen_hbm.at[pl.ds(base, rb)], cidx_v)

        for q in range(rb // 16):
            crow_v[pl.ds(q * 16, 16)] = lax.shift_right_logical(
                cidx_v[pl.ds(q * 16, 16)], 7)

        cp_w = pltpu.async_copy(w_hbm.at[cidx_v], wc_v, sem2)
        cp_b = pltpu.async_copy(b16_hbm.at[crow_v], bcg_v, sem2)

        def super_chunk(sc_i, _):
            off = sc_i * (sr * ctx)
            cps = [
                pltpu.async_copy(
                    syn0_hbm.at[idx_v.at[pl.ds(off + k * 128, 128)]],
                    buf.at[pl.ds(k * 128, 128)],
                    sem)
                for k in range(5)
            ]
            for cp in cps:
                cp.wait()

            def pool_row(r, _):
                rbase = r * ctx
                for g in range(ng):
                    acc = buf[rbase, pl.ds(g * 16, 16)]
                    for t in range(1, ctx):
                        acc = acc + buf[rbase + t, pl.ds(g * 16, 16)]
                    stage[pl.ds(r * d + g * 16, 16)] = acc * (_LOG2E / ctx)
                return 0

            lax.fori_loop(0, sr, pool_row, 0)
            pltpu.sync_copy(
                stage, emb_out.at[pl.ds((base + sc_i * sr) * d, sr * d)])
            return 0

        lax.fori_loop(0, nsc, super_chunk, 0)

        cp_w.wait()
        cp_b.wait()
        pltpu.sync_copy(wc_v, wc_out.at[pl.ds(base, rb)])
        pltpu.sync_copy(bcg_v, bcg_out.at[pl.ds(base, rb)])

    return sc



_VT = 2048


def kernel(context, center, syn0, syn1_w, syn1_b):
    b, ctx = context.shape
    v, d = syn0.shape
    vt = _VT
    vp = ((v + vt - 1) // vt) * vt

    sc = _make_sc_gather(b, ctx, d, 32)
    emb_flat, wc, bcg = sc(
        context.reshape(-1).astype(jnp.int32),
        center.astype(jnp.int32),
        syn0,
        syn1_w,
        jnp.pad(syn1_b, (0, (-v) % 128)).reshape(-1, 128),
    )

    x16 = emb_flat.reshape(b, d).astype(jnp.bfloat16)
    w16 = jnp.pad(syn1_w, ((0, vp - v), (0, 0))).astype(jnp.bfloat16)
    b2 = syn1_b * _LOG2E
    b2pad = jnp.pad(b2, (0, vp - v),
                    constant_values=-1.0e38).reshape(1, vp)
    b2scan = jnp.pad(b2, (0, vp - v)).reshape(1, vp)
    cen2 = center.astype(jnp.int32).reshape(b, 1)

    wm = _w_scan(w16, b2scan, vt)
    mf = _x_norm(x16, wm)
    b2m = b2pad - mf[0, 0]
    loss = _tc_loss(x16, w16, b2m, wc, bcg, cen2, mf, vt)
    return loss[0, 0]

# --- scband reference (transcript-rebuilt; emitter-appended) ---
"""Pipeline reference for scband-cbowsoftmax-6863357739510 (READ-ONLY COPY).

The authoritative reference and input builder live on the scoring server;
editing this copy changes nothing except your own understanding.
"""

import jax, jax.numpy as jnp
import numpy as np

VOCAB = 100000
DIM = 128
BATCH = 4096
CTX = 20

def setup_inputs(seed: int = 0) -> dict:
    key = jax.random.key(seed)
    k1, k2, k3, k4, k5 = jax.random.split(key, 5)
    context = jax.random.randint(k1, (BATCH, CTX), 0, VOCAB, dtype=jnp.int64 if jax.config.jax_enable_x64 else jnp.int32)
    center = jax.random.randint(k2, (BATCH,), 0, VOCAB, dtype=jnp.int64 if jax.config.jax_enable_x64 else jnp.int32)
    syn0 = jax.random.normal(k3, (VOCAB, DIM), dtype=jnp.float32) * 0.02
    syn1_w = jax.random.normal(k4, (VOCAB, DIM), dtype=jnp.float32) * 0.02
    syn1_b = jnp.zeros((VOCAB,), dtype=jnp.float32)
    return {"context": context, "center": center, "syn0": syn0, "syn1_w": syn1_w, "syn1_b": syn1_b}

def reference(context, center, syn0, syn1_w, syn1_b):
    # embedding lookup + mean over context window
    embds = jnp.take(syn0, context, axis=0).mean(axis=1)  # [B, D]
    # linear projection to vocab
    out = embds @ syn1_w.T + syn1_b  # [B, V]
    log_probs = jax.nn.log_softmax(out, axis=1)
    # nll_loss with mean reduction
    picked = jnp.take_along_axis(log_probs, center.reshape(-1, 1), axis=1).squeeze(1)
    loss = -jnp.mean(picked)
    return loss

if __name__ == "__main__":
    import jax
    _d = setup_inputs()
    print(jax.jit(kernel)(*tuple(_d.values())))

</pallas_src>

<mosaic_0001>
#map = affine_map<(d0, d1) -> (0)>
#map1 = affine_map<(d0, d1) -> (0, 0)>
module attributes {stable_mosaic.version = 14 : i64} {
  func.func @sc(%arg0: i32, %arg1: i32, %arg2: memref<81920xi32, #tpu.memory_space<hbm>>, %arg3: memref<4096xi32, #tpu.memory_space<hbm>>, %arg4: memref<100000x128xf32, #tpu.memory_space<hbm>>, %arg5: memref<100000x128xf32, #tpu.memory_space<hbm>>, %arg6: memref<782x128xf32, #tpu.memory_space<hbm>>, %arg7: memref<524288xf32, #tpu.memory_space<hbm>>, %arg8: memref<4096x128xf32, #tpu.memory_space<hbm>>, %arg9: memref<4096x128xf32, #tpu.memory_space<hbm>>, %arg10: memref<2560xi32, #tpu.memory_space<vmem>>, %arg11: memref<128xi32, #tpu.memory_space<vmem>>, %arg12: memref<128xi32, #tpu.memory_space<vmem>>, %arg13: memref<640x128xf32, #tpu.memory_space<vmem>>, %arg14: memref<4096xf32, #tpu.memory_space<vmem>>, %arg15: memref<128x128xf32, #tpu.memory_space<vmem>>, %arg16: memref<128x128xf32, #tpu.memory_space<vmem>>, %arg17: memref<!tpu.dma_semaphore, #tpu.memory_space<semaphore_mem>>, %arg18: memref<!tpu.dma_semaphore, #tpu.memory_space<semaphore_mem>>) attributes {dimension_semantics = [#tpu.dimension_semantics<core_parallel>, #tpu.dimension_semantics<subcore_parallel>], iteration_bounds = array<i64: 2, 16>, scalar_prefetch = 0 : i64, scratch_operands = 9 : i64, tpu.core_type = #tpu.core_type<sc_vector_subcore>, window_params = [{transform_indices = #map}, {transform_indices = #map}, {transform_indices = #map1}, {transform_indices = #map1}, {transform_indices = #map1}, {transform_indices = #map}, {transform_indices = #map1}, {transform_indices = #map1}]} {
    %mul3A = arith.constant 16 : i32
    %mul3A_0 = arith.muli %arg0, %mul3A : i32
    %add3A = arith.addi %mul3A_0, %arg1 : i32
    %mul3A_1 = arith.constant 128 : i32
    %mul3A_2 = arith.muli %add3A, %mul3A_1 : i32
    %mul3A_3 = arith.constant 20 : i32
    %mul3A_4 = arith.muli %mul3A_2, %mul3A_3 : i32
    "tpu.region"() ({
      %run_scoped3A = tpu.sem_alloc : memref<!tpu.dma_semaphore, #tpu.memory_space<semaphore_mem>>
      %dma_start3A_98 = tpu.memref_slice %arg2[%mul3A_4] : memref<81920xi32, #tpu.memory_space<hbm>> -> memref<2560xi32, #tpu.memory_space<hbm>>
      %dma_start3A_99 = tpu.memref_slice %arg2[%mul3A_4] : memref<81920xi32, #tpu.memory_space<hbm>> -> memref<2560xi32, #tpu.memory_space<hbm>>
      tpu.enqueue_dma source(%dma_start3A_99 : memref<2560xi32, #tpu.memory_space<hbm>>) target(%arg10 : memref<2560xi32, #tpu.memory_space<vmem>>) target_semaphore(%run_scoped3A : memref<!tpu.dma_semaphore, #tpu.memory_space<semaphore_mem>>)
      %dma_wait3A_100 = tpu.memref_slice %arg2[%mul3A_4] : memref<81920xi32, #tpu.memory_space<hbm>> -> memref<2560xi32, #tpu.memory_space<hbm>>
      %dma_wait3A_101 = tpu.memref_slice %arg2[%mul3A_4] : memref<81920xi32, #tpu.memory_space<hbm>> -> memref<2560xi32, #tpu.memory_space<hbm>>
      tpu.wait_dma2 semaphore(%run_scoped3A : memref<!tpu.dma_semaphore, #tpu.memory_space<semaphore_mem>>) src(%dma_wait3A_101 : memref<2560xi32, #tpu.memory_space<hbm>>) dst(%arg10 : memref<2560xi32, #tpu.memory_space<vmem>>)
      tpu.yield
    }) : () -> ()
    "tpu.region"() ({
      %run_scoped3A = tpu.sem_alloc : memref<!tpu.dma_semaphore, #tpu.memory_space<semaphore_mem>>
      %dma_start3A_98 = tpu.memref_slice %arg3[%mul3A_2] : memref<4096xi32, #tpu.memory_space<hbm>> -> memref<128xi32, #tpu.memory_space<hbm>>
      %dma_start3A_99 = tpu.memref_slice %arg3[%mul3A_2] : memref<4096xi32, #tpu.memory_space<hbm>> -> memref<128xi32, #tpu.memory_space<hbm>>
      tpu.enqueue_dma source(%dma_start3A_99 : memref<128xi32, #tpu.memory_space<hbm>>) target(%arg11 : memref<128xi32, #tpu.memory_space<vmem>>) target_semaphore(%run_scoped3A : memref<!tpu.dma_semaphore, #tpu.memory_space<semaphore_mem>>)
      %dma_wait3A_100 = tpu.memref_slice %arg3[%mul3A_2] : memref<4096xi32, #tpu.memory_space<hbm>> -> memref<128xi32, #tpu.memory_space<hbm>>
      %dma_wait3A_101 = tpu.memref_slice %arg3[%mul3A_2] : memref<4096xi32, #tpu.memory_space<hbm>> -> memref<128xi32, #tpu.memory_space<hbm>>
      tpu.wait_dma2 semaphore(%run_scoped3A : memref<!tpu.dma_semaphore, #tpu.memory_space<semaphore_mem>>) src(%dma_wait3A_101 : memref<128xi32, #tpu.memory_space<hbm>>) dst(%arg11 : memref<128xi32, #tpu.memory_space<vmem>>)
      tpu.yield
    }) : () -> ()
    %get3A = arith.constant 0 : index
    %get3A_5 = tpu.vector_load %arg11[%get3A] {strides = array<i32>} : memref<128xi32, #tpu.memory_space<vmem>>, vector<16xi32>,
    %get3A_6 = vector.shape_cast %get3A_5 : vector<16xi32> to vector<16xi32>
    %shift_right_logical3A = arith.constant 7 : i32
    %shift_right_logical3A_7 = vector.broadcast %shift_right_logical3A : i32 to vector<16xi32>
    %shift_right_logical3A_8 = arith.shrui %get3A_6, %shift_right_logical3A_7 : vector<16xi32>
    %swap3A = arith.constant 0 : index
    %swap3A_9 = tpu.vector_load %arg12[%swap3A] {strides = array<i32>} : memref<128xi32, #tpu.memory_space<vmem>>, vector<16xi32>,
    %swap3A_10 = vector.shape_cast %swap3A_9 : vector<16xi32> to vector<16xi32>
    %swap3A_11 = vector.shape_cast %shift_right_logical3A_8 : vector<16xi32> to vector<16xi32>
    tpu.vector_store %arg12[%swap3A], %swap3A_11 {strides = array<i32>} : memref<128xi32, #tpu.memory_space<vmem>>, vector<16xi32>,
    %get3A_12 = arith.constant 16 : index
    %get3A_13 = tpu.vector_load %arg11[%get3A_12] {strides = array<i32>} : memref<128xi32, #tpu.memory_space<vmem>>, vector<16xi32>,
    %get3A_14 = vector.shape_cast %get3A_13 : vector<16xi32> to vector<16xi32>
    %shift_right_logical3A_15 = arith.constant 7 : i32
    %shift_right_logical3A_16 = vector.broadcast %shift_right_logical3A_15 : i32 to vector<16xi32>
    %shift_right_logical3A_17 = arith.shrui %get3A_14, %shift_right_logical3A_16 : vector<16xi32>
    %swap3A_18 = arith.constant 16 : index
    %swap3A_19 = tpu.vector_load %arg12[%swap3A_18] {strides = array<i32>} : memref<128xi32, #tpu.memory_space<vmem>>, vector<16xi32>,
    %swap3A_20 = vector.shape_cast %swap3A_19 : vector<16xi32> to vector<16xi32>
    %swap3A_21 = vector.shape_cast %shift_right_logical3A_17 : vector<16xi32> to vector<16xi32>
    tpu.vector_store %arg12[%swap3A_18], %swap3A_21 {strides = array<i32>} : memref<128xi32, #tpu.memory_space<vmem>>, vector<16xi32>,
    %get3A_22 = arith.constant 32 : index
    %get3A_23 = tpu.vector_load %arg11[%get3A_22] {strides = array<i32>} : memref<128xi32, #tpu.memory_space<vmem>>, vector<16xi32>,
    %get3A_24 = vector.shape_cast %get3A_23 : vector<16xi32> to vector<16xi32>
    %shift_right_logical3A_25 = arith.constant 7 : i32
    %shift_right_logical3A_26 = vector.broadcast %shift_right_logical3A_25 : i32 to vector<16xi32>
    %shift_right_logical3A_27 = arith.shrui %get3A_24, %shift_right_logical3A_26 : vector<16xi32>
    %swap3A_28 = arith.constant 32 : index
    %swap3A_29 = tpu.vector_load %arg12[%swap3A_28] {strides = array<i32>} : memref<128xi32, #tpu.memory_space<vmem>>, vector<16xi32>,
    %swap3A_30 = vector.shape_cast %swap3A_29 : vector<16xi32> to vector<16xi32>
    %swap3A_31 = vector.shape_cast %shift_right_logical3A_27 : vector<16xi32> to vector<16xi32>
    tpu.vector_store %arg12[%swap3A_28], %swap3A_31 {strides = array<i32>} : memref<128xi32, #tpu.memory_space<vmem>>, vector<16xi32>,
    %get3A_32 = arith.constant 48 : index
    %get3A_33 = tpu.vector_load %arg11[%get3A_32] {strides = array<i32>} : memref<128xi32, #tpu.memory_space<vmem>>, vector<16xi32>,
    %get3A_34 = vector.shape_cast %get3A_33 : vector<16xi32> to vector<16xi32>
    %shift_right_logical3A_35 = arith.constant 7 : i32
    %shift_right_logical3A_36 = vector.broadcast %shift_right_logical3A_35 : i32 to vector<16xi32>
    %shift_right_logical3A_37 = arith.shrui %get3A_34, %shift_right_logical3A_36 : vector<16xi32>
    %swap3A_38 = arith.constant 48 : index
    %swap3A_39 = tpu.vector_load %arg12[%swap3A_38] {strides = array<i32>} : memref<128xi32, #tpu.memory_space<vmem>>, vector<16xi32>,
    %swap3A_40 = vector.shape_cast %swap3A_39 : vector<16xi32> to vector<16xi32>
    %swap3A_41 = vector.shape_cast %shift_right_logical3A_37 : vector<16xi32> to vector<16xi32>
    tpu.vector_store %arg12[%swap3A_38], %swap3A_41 {strides = array<i32>} : memref<128xi32, #tpu.memory_space<vmem>>, vector<16xi32>,
    %get3A_42 = arith.constant 64 : index
    %get3A_43 = tpu.vector_load %arg11[%get3A_42] {strides = array<i32>} : memref<128xi32, #tpu.memory_space<vmem>>, vector<16xi32>,
    %get3A_44 = vector.shape_cast %get3A_43 : vector<16xi32> to vector<16xi32>
    %shift_right_logical3A_45 = arith.constant 7 : i32
    %shift_right_logical3A_46 = vector.broadcast %shift_right_logical3A_45 : i32 to vector<16xi32>
    %shift_right_logical3A_47 = arith.shrui %get3A_44, %shift_right_logical3A_46 : vector<16xi32>
    %swap3A_48 = arith.constant 64 : index
    %swap3A_49 = tpu.vector_load %arg12[%swap3A_48] {strides = array<i32>} : memref<128xi32, #tpu.memory_space<vmem>>, vector<16xi32>,
    %swap3A_50 = vector.shape_cast %swap3A_49 : vector<16xi32> to vector<16xi32>
    %swap3A_51 = vector.shape_cast %shift_right_logical3A_47 : vector<16xi32> to vector<16xi32>
    tpu.vector_store %arg12[%swap3A_48], %swap3A_51 {strides = array<i32>} : memref<128xi32, #tpu.memory_space<vmem>>, vector<16xi32>,
    %get3A_52 = arith.constant 80 : index
    %get3A_53 = tpu.vector_load %arg11[%get3A_52] {strides = array<i32>} : memref<128xi32, #tpu.memory_space<vmem>>, vector<16xi32>,
    %get3A_54 = vector.shape_cast %get3A_53 : vector<16xi32> to vector<16xi32>
    %shift_right_logical3A_55 = arith.constant 7 : i32
    %shift_right_logical3A_56 = vector.broadcast %shift_right_logical3A_55 : i32 to vector<16xi32>
    %shift_right_logical3A_57 = arith.shrui %get3A_54, %shift_right_logical3A_56 : vector<16xi32>
    %swap3A_58 = arith.constant 80 : index
    %swap3A_59 = tpu.vector_load %arg12[%swap3A_58] {strides = array<i32>} : memref<128xi32, #tpu.memory_space<vmem>>, vector<16xi32>,
    %swap3A_60 = vector.shape_cast %swap3A_59 : vector<16xi32> to vector<16xi32>
    %swap3A_61 = vector.shape_cast %shift_right_logical3A_57 : vector<16xi32> to vector<16xi32>
    tpu.vector_store %arg12[%swap3A_58], %swap3A_61 {strides = array<i32>} : memref<128xi32, #tpu.memory_space<vmem>>, vector<16xi32>,
    %get3A_62 = arith.constant 96 : index
    %get3A_63 = tpu.vector_load %arg11[%get3A_62] {strides = array<i32>} : memref<128xi32, #tpu.memory_space<vmem>>, vector<16xi32>,
    %get3A_64 = vector.shape_cast %get3A_63 : vector<16xi32> to vector<16xi32>
    %shift_right_logical3A_65 = arith.constant 7 : i32
    %shift_right_logical3A_66 = vector.broadcast %shift_right_logical3A_65 : i32 to vector<16xi32>
    %shift_right_logical3A_67 = arith.shrui %get3A_64, %shift_right_logical3A_66 : vector<16xi32>
    %swap3A_68 = arith.constant 96 : index
    %swap3A_69 = tpu.vector_load %arg12[%swap3A_68] {strides = array<i32>} : memref<128xi32, #tpu.memory_space<vmem>>, vector<16xi32>,
    %swap3A_70 = vector.shape_cast %swap3A_69 : vector<16xi32> to vector<16xi32>
    %swap3A_71 = vector.shape_cast %shift_right_logical3A_67 : vector<16xi32> to vector<16xi32>
    tpu.vector_store %arg12[%swap3A_68], %swap3A_71 {strides = array<i32>} : memref<128xi32, #tpu.memory_space<vmem>>, vector<16xi32>,
    %get3A_72 = arith.constant 112 : index
    %get3A_73 = tpu.vector_load %arg11[%get3A_72] {strides = array<i32>} : memref<128xi32, #tpu.memory_space<vmem>>, vector<16xi32>,
    %get3A_74 = vector.shape_cast %get3A_73 : vector<16xi32> to vector<16xi32>
    %shift_right_logical3A_75 = arith.constant 7 : i32
    %shift_right_logical3A_76 = vector.broadcast %shift_right_logical3A_75 : i32 to vector<16xi32>
    %shift_right_logical3A_77 = arith.shrui %get3A_74, %shift_right_logical3A_76 : vector<16xi32>
    %swap3A_78 = arith.constant 112 : index
    %swap3A_79 = tpu.vector_load %arg12[%swap3A_78] {strides = array<i32>} : memref<128xi32, #tpu.memory_space<vmem>>, vector<16xi32>,
    %swap3A_80 = vector.shape_cast %swap3A_79 : vector<16xi32> to vector<16xi32>
    %swap3A_81 = vector.shape_cast %shift_right_logical3A_77 : vector<16xi32> to vector<16xi32>
    tpu.vector_store %arg12[%swap3A_78], %swap3A_81 {strides = array<i32>} : memref<128xi32, #tpu.memory_space<vmem>>, vector<16xi32>,
    %dma_start3A = arith.constant 0 : i32
    %dma_start3A_82 = arith.constant 0 : i32
    %dma_start3A_83 = tpu.memref_slice %arg5[%dma_start3A, %dma_start3A_82] : memref<100000x128xf32, #tpu.memory_space<hbm>> -> memref<100000x128xf32, #tpu.memory_space<hbm>>
    tpu.enqueue_indirect_dma source(%dma_start3A_83 : memref<100000x128xf32, #tpu.memory_space<hbm>>) target(%arg15 : memref<128x128xf32, #tpu.memory_space<vmem>>) offsets(%arg11 : memref<128xi32, #tpu.memory_space<vmem>>) semaphore(%arg18 : memref<!tpu.dma_semaphore, #tpu.memory_space<semaphore_mem>>)
    %dma_start3A_84 = arith.constant 0 : i32
    %dma_start3A_85 = arith.constant 0 : i32
    %dma_start3A_86 = tpu.memref_slice %arg6[%dma_start3A_84, %dma_start3A_85] : memref<782x128xf32, #tpu.memory_space<hbm>> -> memref<782x128xf32, #tpu.memory_space<hbm>>
    tpu.enqueue_indirect_dma source(%dma_start3A_86 : memref<782x128xf32, #tpu.memory_space<hbm>>) target(%arg16 : memref<128x128xf32, #tpu.memory_space<vmem>>) offsets(%arg12 : memref<128xi32, #tpu.memory_space<vmem>>) semaphore(%arg18 : memref<!tpu.dma_semaphore, #tpu.memory_space<semaphore_mem>>)
    %scan3A = arith.constant 0 : i32
    %scan3A_87 = arith.constant 0 : i32
    %scan3A_88 = arith.constant 4 : i32
    %scan3A_89 = arith.addi %scan3A_87, %scan3A_88 : i32
    %scan3A_90 = arith.constant 1 : i32
    %scan3A_91 = scf.for %scan3A_98 = %scan3A_87 to %scan3A_89 step %scan3A_90 iter_args(%scan3A_99 = %scan3A) -> (i32)  : i32 {
      %mul3A_100 = arith.constant 640 : i32
      %mul3A_101 = arith.muli %scan3A_98, %mul3A_100 : i32
      %add3A_102 = arith.constant 0 : i32
      %add3A_103 = arith.addi %mul3A_101, %add3A_102 : i32
      %dma_start3A_104 = arith.constant 0 : i32
      %dma_start3A_105 = arith.constant 0 : i32
      %dma_start3A_106 = tpu.memref_slice %arg13[%dma_start3A_104, %dma_start3A_105] : memref<640x128xf32, #tpu.memory_space<vmem>> -> memref<128x128xf32, #tpu.memory_space<vmem>>
      %dma_start3A_107 = tpu.memref_slice %arg10[%add3A_103] : memref<2560xi32, #tpu.memory_space<vmem>> -> memref<128xi32, #tpu.memory_space<vmem>>
      %dma_start3A_108 = arith.constant 0 : i32
      %dma_start3A_109 = arith.constant 0 : i32
      %dma_start3A_110 = tpu.memref_slice %arg4[%dma_start3A_108, %dma_start3A_109] : memref<100000x128xf32, #tpu.memory_space<hbm>> -> memref<100000x128xf32, #tpu.memory_space<hbm>>
      tpu.enqueue_indirect_dma source(%dma_start3A_110 : memref<100000x128xf32, #tpu.memory_space<hbm>>) target(%dma_start3A_106 : memref<128x128xf32, #tpu.memory_space<vmem>>) offsets(%dma_start3A_107 : memref<128xi32, #tpu.memory_space<vmem>>) semaphore(%arg17 : memref<!tpu.dma_semaphore, #tpu.memory_space<semaphore_mem>>)
      %add3A_111 = arith.constant 128 : i32
      %add3A_112 = arith.addi %mul3A_101, %add3A_111 : i32
      %dma_start3A_113 = arith.constant 128 : i32
      %dma_start3A_114 = arith.constant 0 : i32
      %dma_start3A_115 = tpu.memref_slice %arg13[%dma_start3A_113, %dma_start3A_114] : memref<640x128xf32, #tpu.memory_space<vmem>> -> memref<128x128xf32, #tpu.memory_space<vmem>>
      %dma_start3A_116 = tpu.memref_slice %arg10[%add3A_112] : memref<2560xi32, #tpu.memory_space<vmem>> -> memref<128xi32, #tpu.memory_space<vmem>>
      %dma_start3A_117 = arith.constant 0 : i32
      %dma_start3A_118 = arith.constant 0 : i32
      %dma_start3A_119 = tpu.memref_slice %arg4[%dma_start3A_117, %dma_start3A_118] : memref<100000x128xf32, #tpu.memory_space<hbm>> -> memref<100000x128xf32, #tpu.memory_space<hbm>>
      tpu.enqueue_indirect_dma source(%dma_start3A_119 : memref<100000x128xf32, #tpu.memory_space<hbm>>) target(%dma_start3A_115 : memref<128x128xf32, #tpu.memory_space<vmem>>) offsets(%dma_start3A_116 : memref<128xi32, #tpu.memory_space<vmem>>) semaphore(%arg17 : memref<!tpu.dma_semaphore, #tpu.memory_space<semaphore_mem>>)
      %add3A_120 = arith.constant 256 : i32
      %add3A_121 = arith.addi %mul3A_101, %add3A_120 : i32
      %dma_start3A_122 = arith.constant 256 : i32
      %dma_start3A_123 = arith.constant 0 : i32
      %dma_start3A_124 = tpu.memref_slice %arg13[%dma_start3A_122, %dma_start3A_123] : memref<640x128xf32, #tpu.memory_space<vmem>> -> memref<128x128xf32, #tpu.memory_space<vmem>>
      %dma_start3A_125 = tpu.memref_slice %arg10[%add3A_121] : memref<2560xi32, #tpu.memory_space<vmem>> -> memref<128xi32, #tpu.memory_space<vmem>>
      %dma_start3A_126 = arith.constant 0 : i32
      %dma_start3A_127 = arith.constant 0 : i32
      %dma_start3A_128 = tpu.memref_slice %arg4[%dma_start3A_126, %dma_start3A_127] : memref<100000x128xf32, #tpu.memory_space<hbm>> -> memref<100000x128xf32, #tpu.memory_space<hbm>>
      tpu.enqueue_indirect_dma source(%dma_start3A_128 : memref<100000x128xf32, #tpu.memory_space<hbm>>) target(%dma_start3A_124 : memref<128x128xf32, #tpu.memory_space<vmem>>) offsets(%dma_start3A_125 : memref<128xi32, #tpu.memory_space<vmem>>) semaphore(%arg17 : memref<!tpu.dma_semaphore, #tpu.memory_space<semaphore_mem>>)
      %add3A_129 = arith.constant 384 : i32
      %add3A_130 = arith.addi %mul3A_101, %add3A_129 : i32
      %dma_start3A_131 = arith.constant 384 : i32
      %dma_start3A_132 = arith.constant 0 : i32
      %dma_start3A_133 = tpu.memref_slice %arg13[%dma_start3A_131, %dma_start3A_132] : memref<640x128xf32, #tpu.memory_space<vmem>> -> memref<128x128xf32, #tpu.memory_space<vmem>>
      %dma_start3A_134 = tpu.memref_slice %arg10[%add3A_130] : memref<2560xi32, #tpu.memory_space<vmem>> -> memref<128xi32, #tpu.memory_space<vmem>>
      %dma_start3A_135 = arith.constant 0 : i32
      %dma_start3A_136 = arith.constant 0 : i32
      %dma_start3A_137 = tpu.memref_slice %arg4[%dma_start3A_135, %dma_start3A_136] : memref<100000x128xf32, #tpu.memory_space<hbm>> -> memref<100000x128xf32, #tpu.memory_space<hbm>>
      tpu.enqueue_indirect_dma source(%dma_start3A_137 : memref<100000x128xf32, #tpu.memory_space<hbm>>) target(%dma_start3A_133 : memref<128x128xf32, #tpu.memory_space<vmem>>) offsets(%dma_start3A_134 : memref<128xi32, #tpu.memory_space<vmem>>) semaphore(%arg17 : memref<!tpu.dma_semaphore, #tpu.memory_space<semaphore_mem>>)
      %add3A_138 = arith.constant 512 : i32
      %add3A_139 = arith.addi %mul3A_101, %add3A_138 : i32
      %dma_start3A_140 = arith.constant 512 : i32
      %dma_start3A_141 = arith.constant 0 : i32
      %dma_start3A_142 = tpu.memref_slice %arg13[%dma_start3A_140, %dma_start3A_141] : memref<640x128xf32, #tpu.memory_space<vmem>> -> memref<128x128xf32, #tpu.memory_space<vmem>>
      %dma_start3A_143 = tpu.memref_slice %arg10[%add3A_139] : memref<2560xi32, #tpu.memory_space<vmem>> -> memref<128xi32, #tpu.memory_space<vmem>>
      %dma_start3A_144 = arith.constant 0 : i32
      %dma_start3A_145 = arith.constant 0 : i32
      %dma_start3A_146 = tpu.memref_slice %arg4[%dma_start3A_144, %dma_start3A_145] : memref<100000x128xf32, #tpu.memory_space<hbm>> -> memref<100000x128xf32, #tpu.memory_space<hbm>>
      tpu.enqueue_indirect_dma source(%dma_start3A_146 : memref<100000x128xf32, #tpu.memory_space<hbm>>) target(%dma_start3A_142 : memref<128x128xf32, #tpu.memory_space<vmem>>) offsets(%dma_start3A_143 : memref<128xi32, #tpu.memory_space<vmem>>) semaphore(%arg17 : memref<!tpu.dma_semaphore, #tpu.memory_space<semaphore_mem>>)
      %dma_wait3A_147 = arith.constant 0 : i32
      %dma_wait3A_148 = arith.constant 0 : i32
      %dma_wait3A_149 = tpu.memref_slice %arg13[%dma_wait3A_147, %dma_wait3A_148] : memref<640x128xf32, #tpu.memory_space<vmem>> -> memref<128x128xf32, #tpu.memory_space<vmem>>
      %dma_wait3A_150 = tpu.memref_slice %arg10[%add3A_103] : memref<2560xi32, #tpu.memory_space<vmem>> -> memref<128xi32, #tpu.memory_space<vmem>>
      %dma_wait3A_151 = arith.constant 0 : i32
      %dma_wait3A_152 = arith.constant 0 : i32
      %dma_wait3A_153 = tpu.memref_slice %arg4[%dma_wait3A_151, %dma_wait3A_152] : memref<100000x128xf32, #tpu.memory_space<hbm>> -> memref<100000x128xf32, #tpu.memory_space<hbm>>
      tpu.wait_indirect_dma semaphore(%arg17 : memref<!tpu.dma_semaphore, #tpu.memory_space<semaphore_mem>>) src(%dma_wait3A_153 : memref<100000x128xf32, #tpu.memory_space<hbm>>) dst(%dma_wait3A_149 : memref<128x128xf32, #tpu.memory_space<vmem>>)
      %dma_wait3A_154 = arith.constant 128 : i32
      %dma_wait3A_155 = arith.constant 0 : i32
      %dma_wait3A_156 = tpu.memref_slice %arg13[%dma_wait3A_154, %dma_wait3A_155] : memref<640x128xf32, #tpu.memory_space<vmem>> -> memref<128x128xf32, #tpu.memory_space<vmem>>
      %dma_wait3A_157 = tpu.memref_slice %arg10[%add3A_112] : memref<2560xi32, #tpu.memory_space<vmem>> -> memref<128xi32, #tpu.memory_space<vmem>>
      %dma_wait3A_158 = arith.constant 0 : i32
      %dma_wait3A_159 = arith.constant 0 : i32
      %dma_wait3A_160 = tpu.memref_slice %arg4[%dma_wait3A_158, %dma_wait3A_159] : memref<100000x128xf32, #tpu.memory_space<hbm>> -> memref<100000x128xf32, #tpu.memory_space<hbm>>
      tpu.wait_indirect_dma semaphore(%arg17 : memref<!tpu.dma_semaphore, #tpu.memory_space<semaphore_mem>>) src(%dma_wait3A_160 : memref<100000x128xf32, #tpu.memory_space<hbm>>) dst(%dma_wait3A_156 : memref<128x128xf32, #tpu.memory_space<vmem>>)
      %dma_wait3A_161 = arith.constant 256 : i32
      %dma_wait3A_162 = arith.constant 0 : i32
      %dma_wait3A_163 = tpu.memref_slice %arg13[%dma_wait3A_161, %dma_wait3A_162] : memref<640x128xf32, #tpu.memory_space<vmem>> -> memref<128x128xf32, #tpu.memory_space<vmem>>
      %dma_wait3A_164 = tpu.memref_slice %arg10[%add3A_121] : memref<2560xi32, #tpu.memory_space<vmem>> -> memref<128xi32, #tpu.memory_space<vmem>>
      %dma_wait3A_165 = arith.constant 0 : i32
      %dma_wait3A_166 = arith.constant 0 : i32
      %dma_wait3A_167 = tpu.memref_slice %arg4[%dma_wait3A_165, %dma_wait3A_166] : memref<100000x128xf32, #tpu.memory_space<hbm>> -> memref<100000x128xf32, #tpu.memory_space<hbm>>
      tpu.wait_indirect_dma semaphore(%arg17 : memref<!tpu.dma_semaphore, #tpu.memory_space<semaphore_mem>>) src(%dma_wait3A_167 : memref<100000x128xf32, #tpu.memory_space<hbm>>) dst(%dma_wait3A_163 : memref<128x128xf32, #tpu.memory_space<vmem>>)
      %dma_wait3A_168 = arith.constant 384 : i32
      %dma_wait3A_169 = arith.constant 0 : i32
      %dma_wait3A_170 = tpu.memref_slice %arg13[%dma_wait3A_168, %dma_wait3A_169] : memref<640x128xf32, #tpu.memory_space<vmem>> -> memref<128x128xf32, #tpu.memory_space<vmem>>
      %dma_wait3A_171 = tpu.memref_slice %arg10[%add3A_130] : memref<2560xi32, #tpu.memory_space<vmem>> -> memref<128xi32, #tpu.memory_space<vmem>>
      %dma_wait3A_172 = arith.constant 0 : i32
      %dma_wait3A_173 = arith.constant 0 : i32
      %dma_wait3A_174 = tpu.memref_slice %arg4[%dma_wait3A_172, %dma_wait3A_173] : memref<100000x128xf32, #tpu.memory_space<hbm>> -> memref<100000x128xf32, #tpu.memory_space<hbm>>
      tpu.wait_indirect_dma semaphore(%arg17 : memref<!tpu.dma_semaphore, #tpu.memory_space<semaphore_mem>>) src(%dma_wait3A_174 : memref<100000x128xf32, #tpu.memory_space<hbm>>) dst(%dma_wait3A_170 : memref<128x128xf32, #tpu.memory_space<vmem>>)
      %dma_wait3A_175 = arith.constant 512 : i32
      %dma_wait3A_176 = arith.constant 0 : i32
      %dma_wait3A_177 = tpu.memref_slice %arg13[%dma_wait3A_175, %dma_wait3A_176] : memref<640x128xf32, #tpu.memory_space<vmem>> -> memref<128x128xf32, #tpu.memory_space<vmem>>
      %dma_wait3A_178 = tpu.memref_slice %arg10[%add3A_139] : memref<2560xi32, #tpu.memory_space<vmem>> -> memref<128xi32, #tpu.memory_space<vmem>>
      %dma_wait3A_179 = arith.constant 0 : i32
      %dma_wait3A_180 = arith.constant 0 : i32
      %dma_wait3A_181 = tpu.memref_slice %arg4[%dma_wait3A_179, %dma_wait3A_180] : memref<100000x128xf32, #tpu.memory_space<hbm>> -> memref<100000x128xf32, #tpu.memory_space<hbm>>
      tpu.wait_indirect_dma semaphore(%arg17 : memref<!tpu.dma_semaphore, #tpu.memory_space<semaphore_mem>>) src(%dma_wait3A_181 : memref<100000x128xf32, #tpu.memory_space<hbm>>) dst(%dma_wait3A_177 : memref<128x128xf32, #tpu.memory_space<vmem>>)
      %scan3A_182 = arith.constant 0 : i32
      %scan3A_183 = arith.constant 0 : i32
      %scan3A_184 = arith.constant 32 : i32
      %scan3A_185 = arith.addi %scan3A_183, %scan3A_184 : i32
      %scan3A_186 = arith.constant 1 : i32
      %scan3A_187 = scf.for %scan3A_195 = %scan3A_183 to %scan3A_185 step %scan3A_186 iter_args(%scan3A_196 = %scan3A_182) -> (i32)  : i32 {
        %mul3A_197 = arith.constant 20 : i32
        %mul3A_198 = arith.muli %scan3A_195, %mul3A_197 : i32
        %get3A_199 = arith.index_cast %mul3A_198 : i32 to index
        %get3A_200 = arith.constant 0 : index
        %get3A_201 = tpu.vector_load %arg13[%get3A_199, %get3A_200] {strides = array<i32>} : memref<640x128xf32, #tpu.memory_space<vmem>>, vector<1x16xf32>,
        %get3A_202 = vector.shape_cast %get3A_201 : vector<1x16xf32> to vector<16xf32>
        %add3A_203 = arith.constant 1 : i32
        %add3A_204 = arith.addi %mul3A_198, %add3A_203 : i32
        %get3A_205 = arith.index_cast %add3A_204 : i32 to index
        %get3A_206 = arith.constant 0 : index
        %get3A_207 = tpu.vector_load %arg13[%get3A_205, %get3A_206] {strides = array<i32>} : memref<640x128xf32, #tpu.memory_space<vmem>>, vector<1x16xf32>,
        %get3A_208 = vector.shape_cast %get3A_207 : vector<1x16xf32> to vector<16xf32>
        %add3A_209 = arith.addf %get3A_202, %get3A_208 : vector<16xf32>
        %add3A_210 = arith.constant 2 : i32
        %add3A_211 = arith.addi %mul3A_198, %add3A_210 : i32
        %get3A_212 = arith.index_cast %add3A_211 : i32 to index
        %get3A_213 = arith.constant 0 : index
        %get3A_214 = tpu.vector_load %arg13[%get3A_212, %get3A_213] {strides = array<i32>} : memref<640x128xf32, #tpu.memory_space<vmem>>, vector<1x16xf32>,
        %get3A_215 = vector.shape_cast %get3A_214 : vector<1x16xf32> to vector<16xf32>
        %add3A_216 = arith.addf %add3A_209, %get3A_215 : vector<16xf32>
        %add3A_217 = arith.constant 3 : i32
        %add3A_218 = arith.addi %mul3A_198, %add3A_217 : i32
        %get3A_219 = arith.index_cast %add3A_218 : i32 to index
        %get3A_220 = arith.constant 0 : index
        %get3A_221 = tpu.vector_load %arg13[%get3A_219, %get3A_220] {strides = array<i32>} : memref<640x128xf32, #tpu.memory_space<vmem>>, vector<1x16xf32>,
        %get3A_222 = vector.shape_cast %get3A_221 : vector<1x16xf32> to vector<16xf32>
        %add3A_223 = arith.addf %add3A_216, %get3A_222 : vector<16xf32>
        %add3A_224 = arith.constant 4 : i32
        %add3A_225 = arith.addi %mul3A_198, %add3A_224 : i32
        %get3A_226 = arith.index_cast %add3A_225 : i32 to index
        %get3A_227 = arith.constant 0 : index
        %get3A_228 = tpu.vector_load %arg13[%get3A_226, %get3A_227] {strides = array<i32>} : memref<640x128xf32, #tpu.memory_space<vmem>>, vector<1x16xf32>,
        %get3A_229 = vector.shape_cast %get3A_228 : vector<1x16xf32> to vector<16xf32>
        %add3A_230 = arith.addf %add3A_223, %get3A_229 : vector<16xf32>
        %add3A_231 = arith.constant 5 : i32
        %add3A_232 = arith.addi %mul3A_198, %add3A_231 : i32
        %get3A_233 = arith.index_cast %add3A_232 : i32 to index
        %get3A_234 = arith.constant 0 : index
        %get3A_235 = tpu.vector_load %arg13[%get3A_233, %get3A_234] {strides = array<i32>} : memref<640x128xf32, #tpu.memory_space<vmem>>, vector<1x16xf32>,
        %get3A_236 = vector.shape_cast %get3A_235 : vector<1x16xf32> to vector<16xf32>
        %add3A_237 = arith.addf %add3A_230, %get3A_236 : vector<16xf32>
        %add3A_238 = arith.constant 6 : i32
        %add3A_239 = arith.addi %mul3A_198, %add3A_238 : i32
        %get3A_240 = arith.index_cast %add3A_239 : i32 to index
        %get3A_241 = arith.constant 0 : index
        %get3A_242 = tpu.vector_load %arg13[%get3A_240, %get3A_241] {strides = array<i32>} : memref<640x128xf32, #tpu.memory_space<vmem>>, vector<1x16xf32>,
        %get3A_243 = vector.shape_cast %get3A_242 : vector<1x16xf32> to vector<16xf32>
        %add3A_244 = arith.addf %add3A_237, %get3A_243 : vector<16xf32>
        %add3A_245 = arith.constant 7 : i32
        %add3A_246 = arith.addi %mul3A_198, %add3A_245 : i32
        %get3A_247 = arith.index_cast %add3A_246 : i32 to index
        %get3A_248 = arith.constant 0 : index
        %get3A_249 = tpu.vector_load %arg13[%get3A_247, %get3A_248] {strides = array<i32>} : memref<640x128xf32, #tpu.memory_space<vmem>>, vector<1x16xf32>,
        %get3A_250 = vector.shape_cast %get3A_249 : vector<1x16xf32> to vector<16xf32>
        %add3A_251 = arith.addf %add3A_244, %get3A_250 : vector<16xf32>
        %add3A_252 = arith.constant 8 : i32
        %add3A_253 = arith.addi %mul3A_198, %add3A_252 : i32
        %get3A_254 = arith.index_cast %add3A_253 : i32 to index
        %get3A_255 = arith.constant 0 : index
        %get3A_256 = tpu.vector_load %arg13[%get3A_254, %get3A_255] {strides = array<i32>} : memref<640x128xf32, #tpu.memory_space<vmem>>, vector<1x16xf32>,
        %get3A_257 = vector.shape_cast %get3A_256 : vector<1x16xf32> to vector<16xf32>
        %add3A_258 = arith.addf %add3A_251, %get3A_257 : vector<16xf32>
        %add3A_259 = arith.constant 9 : i32
        %add3A_260 = arith.addi %mul3A_198, %add3A_259 : i32
        %get3A_261 = arith.index_cast %add3A_260 : i32 to index
        %get3A_262 = arith.constant 0 : index
        %get3A_263 = tpu.vector_load %arg13[%get3A_261, %get3A_262] {strides = array<i32>} : memref<640x128xf32, #tpu.memory_space<vmem>>, vector<1x16xf32>,
        %get3A_264 = vector.shape_cast %get3A_263 : vector<1x16xf32> to vector<16xf32>
        %add3A_265 = arith.addf %add3A_258, %get3A_264 : vector<16xf32>
        %add3A_266 = arith.constant 10 : i32
        %add3A_267 = arith.addi %mul3A_198, %add3A_266 : i32
        %get3A_268 = arith.index_cast %add3A_267 : i32 to index
        %get3A_269 = arith.constant 0 : index
        %get3A_270 = tpu.vector_load %arg13[%get3A_268, %get3A_269] {strides = array<i32>} : memref<640x128xf32, #tpu.memory_space<vmem>>, vector<1x16xf32>,
        %get3A_271 = vector.shape_cast %get3A_270 : vector<1x16xf32> to vector<16xf32>
        %add3A_272 = arith.addf %add3A_265, %get3A_271 : vector<16xf32>
        %add3A_273 = arith.constant 11 : i32
        %add3A_274 = arith.addi %mul3A_198, %add3A_273 : i32
        %get3A_275 = arith.index_cast %add3A_274 : i32 to index
        %get3A_276 = arith.constant 0 : index
        %get3A_277 = tpu.vector_load %arg13[%get3A_275, %get3A_276] {strides = array<i32>} : memref<640x128xf32, #tpu.memory_space<vmem>>, vector<1x16xf32>,
        %get3A_278 = vector.shape_cast %get3A_277 : vector<1x16xf32> to vector<16xf32>
        %add3A_279 = arith.addf %add3A_272, %get3A_278 : vector<16xf32>
        %add3A_280 = arith.constant 12 : i32
        %add3A_281 = arith.addi %mul3A_198, %add3A_280 : i32
        %get3A_282 = arith.index_cast %add3A_281 : i32 to index
        %get3A_283 = arith.constant 0 : index
        %get3A_284 = tpu.vector_load %arg13[%get3A_282, %get3A_283] {strides = array<i32>} : memref<640x128xf32, #tpu.memory_space<vmem>>, vector<1x16xf32>,
        %get3A_285 = vector.shape_cast %get3A_284 : vector<1x16xf32> to vector<16xf32>
        %add3A_286 = arith.addf %add3A_279, %get3A_285 : vector<16xf32>
        %add3A_287 = arith.constant 13 : i32
        %add3A_288 = arith.addi %mul3A_198, %add3A_287 : i32
        %get3A_289 = arith.index_cast %add3A_288 : i32 to index
        %get3A_290 = arith.constant 0 : index
        %get3A_291 = tpu.vector_load %arg13[%get3A_289, %get3A_290] {strides = array<i32>} : memref<640x128xf32, #tpu.memory_space<vmem>>, vector<1x16xf32>,
        %get3A_292 = vector.shape_cast %get3A_291 : vector<1x16xf32> to vector<16xf32>
        %add3A_293 = arith.addf %add3A_286, %get3A_292 : vector<16xf32>
        %add3A_294 = arith.constant 14 : i32
        %add3A_295 = arith.addi %mul3A_198, %add3A_294 : i32
        %get3A_296 = arith.index_cast %add3A_295 : i32 to index
        %get3A_297 = arith.constant 0 : index
        %get3A_298 = tpu.vector_load %arg13[%get3A_296, %get3A_297] {strides = array<i32>} : memref<640x128xf32, #tpu.memory_space<vmem>>, vector<1x16xf32>,
        %get3A_299 = vector.shape_cast %get3A_298 : vector<1x16xf32> to vector<16xf32>
        %add3A_300 = arith.addf %add3A_293, %get3A_299 : vector<16xf32>
        %add3A_301 = arith.constant 15 : i32
        %add3A_302 = arith.addi %mul3A_198, %add3A_301 : i32
        %get3A_303 = arith.index_cast %add3A_302 : i32 to index
        %get3A_304 = arith.constant 0 : index
        %get3A_305 = tpu.vector_load %arg13[%get3A_303, %get3A_304] {strides = array<i32>} : memref<640x128xf32, #tpu.memory_space<vmem>>, vector<1x16xf32>,
        %get3A_306 = vector.shape_cast %get3A_305 : vector<1x16xf32> to vector<16xf32>
        %add3A_307 = arith.addf %add3A_300, %get3A_306 : vector<16xf32>
        %add3A_308 = arith.constant 16 : i32
        %add3A_309 = arith.addi %mul3A_198, %add3A_308 : i32
        %get3A_310 = arith.index_cast %add3A_309 : i32 to index
        %get3A_311 = arith.constant 0 : index
        %get3A_312 = tpu.vector_load %arg13[%get3A_310, %get3A_311] {strides = array<i32>} : memref<640x128xf32, #tpu.memory_space<vmem>>, vector<1x16xf32>,
        %get3A_313 = vector.shape_cast %get3A_312 : vector<1x16xf32> to vector<16xf32>
        %add3A_314 = arith.addf %add3A_307, %get3A_313 : vector<16xf32>
        %add3A_315 = arith.constant 17 : i32
        %add3A_316 = arith.addi %mul3A_198, %add3A_315 : i32
        %get3A_317 = arith.index_cast %add3A_316 : i32 to index
        %get3A_318 = arith.constant 0 : index
        %get3A_319 = tpu.vector_load %arg13[%get3A_317, %get3A_318] {strides = array<i32>} : memref<640x128xf32, #tpu.memory_space<vmem>>, vector<1x16xf32>,
        %get3A_320 = vector.shape_cast %get3A_319 : vector<1x16xf32> to vector<16xf32>
        %add3A_321 = arith.addf %add3A_314, %get3A_320 : vector<16xf32>
        %add3A_322 = arith.constant 18 : i32
        %add3A_323 = arith.addi %mul3A_198, %add3A_322 : i32
        %get3A_324 = arith.index_cast %add3A_323 : i32 to index
        %get3A_325 = arith.constant 0 : index
        %get3A_326 = tpu.vector_load %arg13[%get3A_324, %get3A_325] {strides = array<i32>} : memref<640x128xf32, #tpu.memory_space<vmem>>, vector<1x16xf32>,
        %get3A_327 = vector.shape_cast %get3A_326 : vector<1x16xf32> to vector<16xf32>
        %add3A_328 = arith.addf %add3A_321, %get3A_327 : vector<16xf32>
        %add3A_329 = arith.constant 19 : i32
        %add3A_330 = arith.addi %mul3A_198, %add3A_329 : i32
        %get3A_331 = arith.index_cast %add3A_330 : i32 to index
        %get3A_332 = arith.constant 0 : index
        %get3A_333 = tpu.vector_load %arg13[%get3A_331, %get3A_332] {strides = array<i32>} : memref<640x128xf32, #tpu.memory_space<vmem>>, vector<1x16xf32>,
        %get3A_334 = vector.shape_cast %get3A_333 : vector<1x16xf32> to vector<16xf32>
        %add3A_335 = arith.addf %add3A_328, %get3A_334 : vector<16xf32>
        %mul3A_336 = arith.constant 0.0721347556 : f32
        %mul3A_337 = vector.broadcast %mul3A_336 : f32 to vector<16xf32>
        %mul3A_338 = arith.mulf %add3A_335, %mul3A_337 : vector<16xf32>
        %mul3A_339 = arith.constant 128 : i32
        %mul3A_340 = arith.muli %scan3A_195, %mul3A_339 : i32
        %add3A_341 = arith.constant 0 : i32
        %add3A_342 = arith.addi %mul3A_340, %add3A_341 : i32
        %swap3A_343 = arith.index_cast %add3A_342 : i32 to index
        %swap3A_344 = tpu.vector_load %arg14[%swap3A_343] {strides = array<i32>} : memref<4096xf32, #tpu.memory_space<vmem>>, vector<16xf32>,
        %swap3A_345 = vector.shape_cast %swap3A_344 : vector<16xf32> to vector<16xf32>
        %swap3A_346 = vector.shape_cast %mul3A_338 : vector<16xf32> to vector<16xf32>
        tpu.vector_store %arg14[%swap3A_343], %swap3A_346 {strides = array<i32>} : memref<4096xf32, #tpu.memory_space<vmem>>, vector<16xf32>,
        %get3A_347 = arith.index_cast %mul3A_198 : i32 to index
        %get3A_348 = arith.constant 16 : index
        %get3A_349 = tpu.vector_load %arg13[%get3A_347, %get3A_348] {strides = array<i32>} : memref<640x128xf32, #tpu.memory_space<vmem>>, vector<1x16xf32>,
        %get3A_350 = vector.shape_cast %get3A_349 : vector<1x16xf32> to vector<16xf32>
        %add3A_351 = arith.constant 1 : i32
        %add3A_352 = arith.addi %mul3A_198, %add3A_351 : i32
        %get3A_353 = arith.index_cast %add3A_352 : i32 to index
        %get3A_354 = arith.constant 16 : index
        %get3A_355 = tpu.vector_load %arg13[%get3A_353, %get3A_354] {strides = array<i32>} : memref<640x128xf32, #tpu.memory_space<vmem>>, vector<1x16xf32>,
        %get3A_356 = vector.shape_cast %get3A_355 : vector<1x16xf32> to vector<16xf32>
        %add3A_357 = arith.addf %get3A_350, %get3A_356 : vector<16xf32>
        %add3A_358 = arith.constant 2 : i32
        %add3A_359 = arith.addi %mul3A_198, %add3A_358 : i32
        %get3A_360 = arith.index_cast %add3A_359 : i32 to index
        %get3A_361 = arith.constant 16 : index
        %get3A_362 = tpu.vector_load %arg13[%get3A_360, %get3A_361] {strides = array<i32>} : memref<640x128xf32, #tpu.memory_space<vmem>>, vector<1x16xf32>,
        %get3A_363 = vector.shape_cast %get3A_362 : vector<1x16xf32> to vector<16xf32>
        %add3A_364 = arith.addf %add3A_357, %get3A_363 : vector<16xf32>
        %add3A_365 = arith.constant 3 : i32
        %add3A_366 = arith.addi %mul3A_198, %add3A_365 : i32
        %get3A_367 = arith.index_cast %add3A_366 : i32 to index
        %get3A_368 = arith.constant 16 : index
        %get3A_369 = tpu.vector_load %arg13[%get3A_367, %get3A_368] {strides = array<i32>} : memref<640x128xf32, #tpu.memory_space<vmem>>, vector<1x16xf32>,
        %get3A_370 = vector.shape_cast %get3A_369 : vector<1x16xf32> to vector<16xf32>
        %add3A_371 = arith.addf %add3A_364, %get3A_370 : vector<16xf32>
        %add3A_372 = arith.constant 4 : i32
        %add3A_373 = arith.addi %mul3A_198, %add3A_372 : i32
        %get3A_374 = arith.index_cast %add3A_373 : i32 to index
        %get3A_375 = arith.constant 16 : index
        %get3A_376 = tpu.vector_load %arg13[%get3A_374, %get3A_375] {strides = array<i32>} : memref<640x128xf32, #tpu.memory_space<vmem>>, vector<1x16xf32>,
        %get3A_377 = vector.shape_cast %get3A_376 : vector<1x16xf32> to vector<16xf32>
        %add3A_378 = arith.addf %add3A_371, %get3A_377 : vector<16xf32>
        %add3A_379 = arith.constant 5 : i32
        %add3A_380 = arith.addi %mul3A_198, %add3A_379 : i32
        %get3A_381 = arith.index_cast %add3A_380 : i32 to index
        %get3A_382 = arith.constant 16 : index
        %get3A_383 = tpu.vector_load %arg13[%get3A_381, %get3A_382] {strides = array<i32>} : memref<640x128xf32, #tpu.memory_space<vmem>>, vector<1x16xf32>,
        %get3A_384 = vector.shape_cast %get3A_383 : vector<1x16xf32> to vector<16xf32>
        %add3A_385 = arith.addf %add3A_378, %get3A_384 : vector<16xf32>
        %add3A_386 = arith.constant 6 : i32
        %add3A_387 = arith.addi %mul3A_198, %add3A_386 : i32
        %get3A_388 = arith.index_cast %add3A_387 : i32 to index
        %get3A_389 = arith.constant 16 : index
        %get3A_390 = tpu.vector_load %arg13[%get3A_388, %get3A_389] {strides = array<i32>} : memref<640x128xf32, #tpu.memory_space<vmem>>, vector<1x16xf32>,
        %get3A_391 = vector.shape_cast %get3A_390 : vector<1x16xf32> to vector<16xf32>
        %add3A_392 = arith.addf %add3A_385, %get3A_391 : vector<16xf32>
        %add3A_393 = arith.constant 7 : i32
        %add3A_394 = arith.addi %mul3A_198, %add3A_393 : i32
        %get3A_395 = arith.index_cast %add3A_394 : i32 to index
        %get3A_396 = arith.constant 16 : index
        %get3A_397 = tpu.vector_load %arg13[%get3A_395, %get3A_396] {strides = array<i32>} : memref<640x128xf32, #tpu.memory_space<vmem>>, vector<1x16xf32>,
        %get3A_398 = vector.shape_cast %get3A_397 : vector<1x16xf32> to vector<16xf32>
        %add3A_399 = arith.addf %add3A_392, %get3A_398 : vector<16xf32>
        %add3A_400 = arith.constant 8 : i32
        %add3A_401 = arith.addi %mul3A_198, %add3A_400 : i32
        %get3A_402 = arith.index_cast %add3A_401 : i32 to index
        %get3A_403 = arith.constant 16 : index
        %get3A_404 = tpu.vector_load %arg13[%get3A_402, %get3A_403] {strides = array<i32>} : memref<640x128xf32, #tpu.memory_space<vmem>>, vector<1x16xf32>,
        %get3A_405 = vector.shape_cast %get3A_404 : vector<1x16xf32> to vector<16xf32>
        %add3A_406 = arith.addf %add3A_399, %get3A_405 : vector<16xf32>
        %add3A_407 = arith.constant 9 : i32
        %add3A_408 = arith.addi %mul3A_198, %add3A_407 : i32
        %get3A_409 = arith.index_cast %add3A_408 : i32 to index
        %get3A_410 = arith.constant 16 : index
        %get3A_411 = tpu.vector_load %arg13[%get3A_409, %get3A_410] {strides = array<i32>} : memref<640x128xf32, #tpu.memory_space<vmem>>, vector<1x16xf32>,
        %get3A_412 = vector.shape_cast %get3A_411 : vector<1x16xf32> to vector<16xf32>
        %add3A_413 = arith.addf %add3A_406, %get3A_412 : vector<16xf32>
        %add3A_414 = arith.constant 10 : i32
        %add3A_415 = arith.addi %mul3A_198, %add3A_414 : i32
        %get3A_416 = arith.index_cast %add3A_415 : i32 to index
        %get3A_417 = arith.constant 16 : index
        %get3A_418 = tpu.vector_load %arg13[%get3A_416, %get3A_417] {strides = array<i32>} : memref<640x128xf32, #tpu.memory_space<vmem>>, vector<1x16xf32>,
        %get3A_419 = vector.shape_cast %get3A_418 : vector<1x16xf32> to vector<16xf32>
        %add3A_420 = arith.addf %add3A_413, %get3A_419 : vector<16xf32>
        %add3A_421 = arith.constant 11 : i32
        %add3A_422 = arith.addi %mul3A_198, %add3A_421 : i32
        %get3A_423 = arith.index_cast %add3A_422 : i32 to index
        %get3A_424 = arith.constant 16 : index
        %get3A_425 = tpu.vector_load %arg13[%get3A_423, %get3A_424] {strides = array<i32>} : memref<640x128xf32, #tpu.memory_space<vmem>>, vector<1x16xf32>,
        %get3A_426 = vector.shape_cast %get3A_425 : vector<1x16xf32> to vector<16xf32>
        %add3A_427 = arith.addf %add3A_420, %get3A_426 : vector<16xf32>
        %add3A_428 = arith.constant 12 : i32
        %add3A_429 = arith.addi %mul3A_198, %add3A_428 : i32
        %get3A_430 = arith.index_cast %add3A_429 : i32 to index
        %get3A_431 = arith.constant 16 : index
        %get3A_432 = tpu.vector_load %arg13[%get3A_430, %get3A_431] {strides = array<i32>} : memref<640x128xf32, #tpu.memory_space<vmem>>, vector<1x16xf32>,
        %get3A_433 = vector.shape_cast %get3A_432 : vector<1x16xf32> to vector<16xf32>
        %add3A_434 = arith.addf %add3A_427, %get3A_433 : vector<16xf32>
        %add3A_435 = arith.constant 13 : i32
        %add3A_436 = arith.addi %mul3A_198, %add3A_435 : i32
        %get3A_437 = arith.index_cast %add3A_436 : i32 to index
        %get3A_438 = arith.constant 16 : index
        %get3A_439 = tpu.vector_load %arg13[%get3A_437, %get3A_438] {strides = array<i32>} : memref<640x128xf32, #tpu.memory_space<vmem>>, vector<1x16xf32>,
        %get3A_440 = vector.shape_cast %get3A_439 : vector<1x16xf32> to vector<16xf32>
        %add3A_441 = arith.addf %add3A_434, %get3A_440 : vector<16xf32>
        %add3A_442 = arith.constant 14 : i32
        %add3A_443 = arith.addi %mul3A_198, %add3A_442 : i32
        %get3A_444 = arith.index_cast %add3A_443 : i32 to index
        %get3A_445 = arith.constant 16 : index
        %get3A_446 = tpu.vector_load %arg13[%get3A_444, %get3A_445] {strides = array<i32>} : memref<640x128xf32, #tpu.memory_space<vmem>>, vector<1x16xf32>,
        %get3A_447 = vector.shape_cast %get3A_446 : vector<1x16xf32> to vector<16xf32>
        %add3A_448 = arith.addf %add3A_441, %get3A_447 : vector<16xf32>
        %add3A_449 = arith.constant 15 : i32
        %add3A_450 = arith.addi %mul3A_198, %add3A_449 : i32
        %get3A_451 = arith.index_cast %add3A_450 : i32 to index
        %get3A_452 = arith.constant 16 : index
        %get3A_453 = tpu.vector_load %arg13[%get3A_451, %get3A_452] {strides = array<i32>} : memref<640x128xf32, #tpu.memory_space<vmem>>, vector<1x16xf32>,
        %get3A_454 = vector.shape_cast %get3A_453 : vector<1x16xf32> to vector<16xf32>
        %add3A_455 = arith.addf %add3A_448, %get3A_454 : vector<16xf32>
        %add3A_456 = arith.constant 16 : i32
        %add3A_457 = arith.addi %mul3A_198, %add3A_456 : i32
        %get3A_458 = arith.index_cast %add3A_457 : i32 to index
        %get3A_459 = arith.constant 16 : index
        %get3A_460 = tpu.vector_load %arg13[%get3A_458, %get3A_459] {strides = array<i32>} : memref<640x128xf32, #tpu.memory_space<vmem>>, vector<1x16xf32>,
        %get3A_461 = vector.shape_cast %get3A_460 : vector<1x16xf32> to vector<16xf32>
        %add3A_462 = arith.addf %add3A_455, %get3A_461 : vector<16xf32>
        %add3A_463 = arith.constant 17 : i32
        %add3A_464 = arith.addi %mul3A_198, %add3A_463 : i32
        %get3A_465 = arith.index_cast %add3A_464 : i32 to index
        %get3A_466 = arith.constant 16 : index
        %get3A_467 = tpu.vector_load %arg13[%get3A_465, %get3A_466] {strides = array<i32>} : memref<640x128xf32, #tpu.memory_space<vmem>>, vector<1x16xf32>,
        %get3A_468 = vector.shape_cast %get3A_467 : vector<1x16xf32> to vector<16xf32>
        %add3A_469 = arith.addf %add3A_462, %get3A_468 : vector<16xf32>
        %add3A_470 = arith.constant 18 : i32
        %add3A_471 = arith.addi %mul3A_198, %add3A_470 : i32
        %get3A_472 = arith.index_cast %add3A_471 : i32 to index
        %get3A_473 = arith.constant 16 : index
        %get3A_474 = tpu.vector_load %arg13[%get3A_472, %get3A_473] {strides = array<i32>} : memref<640x128xf32, #tpu.memory_space<vmem>>, vector<1x16xf32>,
        %get3A_475 = vector.shape_cast %get3A_474 : vector<1x16xf32> to vector<16xf32>
        %add3A_476 = arith.addf %add3A_469, %get3A_475 : vector<16xf32>
        %add3A_477 = arith.constant 19 : i32
        %add3A_478 = arith.addi %mul3A_198, %add3A_477 : i32
        %get3A_479 = arith.index_cast %add3A_478 : i32 to index
        %get3A_480 = arith.constant 16 : index
        %get3A_481 = tpu.vector_load %arg13[%get3A_479, %get3A_480] {strides = array<i32>} : memref<640x128xf32, #tpu.memory_space<vmem>>, vector<1x16xf32>,
        %get3A_482 = vector.shape_cast %get3A_481 : vector<1x16xf32> to vector<16xf32>
        %add3A_483 = arith.addf %add3A_476, %get3A_482 : vector<16xf32>
        %mul3A_484 = arith.constant 0.0721347556 : f32
        %mul3A_485 = vector.broadcast %mul3A_484 : f32 to vector<16xf32>
        %mul3A_486 = arith.mulf %add3A_483, %mul3A_485 : vector<16xf32>
        %mul3A_487 = arith.constant 128 : i32
        %mul3A_488 = arith.muli %scan3A_195, %mul3A_487 : i32
        %add3A_489 = arith.constant 16 : i32
        %add3A_490 = arith.addi %mul3A_488, %add3A_489 : i32
        %swap3A_491 = arith.index_cast %add3A_490 : i32 to index
        %swap3A_492 = tpu.vector_load %arg14[%swap3A_491] {strides = array<i32>} : memref<4096xf32, #tpu.memory_space<vmem>>, vector<16xf32>,
        %swap3A_493 = vector.shape_cast %swap3A_492 : vector<16xf32> to vector<16xf32>
        %swap3A_494 = vector.shape_cast %mul3A_486 : vector<16xf32> to vector<16xf32>
        tpu.vector_store %arg14[%swap3A_491], %swap3A_494 {strides = array<i32>} : memref<4096xf32, #tpu.memory_space<vmem>>, vector<16xf32>,
        %get3A_495 = arith.index_cast %mul3A_198 : i32 to index
        %get3A_496 = arith.constant 32 : index
        %get3A_497 = tpu.vector_load %arg13[%get3A_495, %get3A_496] {strides = array<i32>} : memref<640x128xf32, #tpu.memory_space<vmem>>, vector<1x16xf32>,
        %get3A_498 = vector.shape_cast %get3A_497 : vector<1x16xf32> to vector<16xf32>
        %add3A_499 = arith.constant 1 : i32
        %add3A_500 = arith.addi %mul3A_198, %add3A_499 : i32
        %get3A_501 = arith.index_cast %add3A_500 : i32 to index
        %get3A_502 = arith.constant 32 : index
        %get3A_503 = tpu.vector_load %arg13[%get3A_501, %get3A_502] {strides = array<i32>} : memref<640x128xf32, #tpu.memory_space<vmem>>, vector<1x16xf32>,
        %get3A_504 = vector.shape_cast %get3A_503 : vector<1x16xf32> to vector<16xf32>
        %add3A_505 = arith.addf %get3A_498, %get3A_504 : vector<16xf32>
        %add3A_506 = arith.constant 2 : i32
        %add3A_507 = arith.addi %mul3A_198, %add3A_506 : i32
        %get3A_508 = arith.index_cast %add3A_507 : i32 to index
        %get3A_509 = arith.constant 32 : index
        %get3A_510 = tpu.vector_load %arg13[%get3A_508, %get3A_509] {strides = array<i32>} : memref<640x128xf32, #tpu.memory_space<vmem>>, vector<1x16xf32>,
        %get3A_511 = vector.shape_cast %get3A_510 : vector<1x16xf32> to vector<16xf32>
        %add3A_512 = arith.addf %add3A_505, %get3A_511 : vector<16xf32>
        %add3A_513 = arith.constant 3 : i32
        %add3A_514 = arith.addi %mul3A_198, %add3A_513 : i32
        %get3A_515 = arith.index_cast %add3A_514 : i32 to index
        %get3A_516 = arith.constant 32 : index
        %get3A_517 = tpu.vector_load %arg13[%get3A_515, %get3A_516] {strides = array<i32>} : memref<640x128xf32, #tpu.memory_space<vmem>>, vector<1x16xf32>,
        %get3A_518 = vector.shape_cast %get3A_517 : vector<1x16xf32> to vector<16xf32>
        %add3A_519 = arith.addf %add3A_512, %get3A_518 : vector<16xf32>
        %add3A_520 = arith.constant 4 : i32
        %add3A_521 = arith.addi %mul3A_198, %add3A_520 : i32
        %get3A_522 = arith.index_cast %add3A_521 : i32 to index
        %get3A_523 = arith.constant 32 : index
        %get3A_524 = tpu.vector_load %arg13[%get3A_522, %get3A_523] {strides = array<i32>} : memref<640x128xf32, #tpu.memory_space<vmem>>, vector<1x16xf32>,
        %get3A_525 = vector.shape_cast %get3A_524 : vector<1x16xf32> to vector<16xf32>
        %add3A_526 = arith.addf %add3A_519, %get3A_525 : vector<16xf32>
        %add3A_527 = arith.constant 5 : i32
        %add3A_528 = arith.addi %mul3A_198, %add3A_527 : i32
        %get3A_529 = arith.index_cast %add3A_528 : i32 to index
        %get3A_530 = arith.constant 32 : index
        %get3A_531 = tpu.vector_load %arg13[%get3A_529, %get3A_530] {strides = array<i32>} : memref<640x128xf32, #tpu.memory_space<vmem>>, vector<1x16xf32>,
        %get3A_532 = vector.shape_cast %get3A_531 : vector<1x16xf32> to vector<16xf32>
        %add3A_533 = arith.addf %add3A_526, %get3A_532 : vector<16xf32>
        %add3A_534 = arith.constant 6 : i32
        %add3A_535 = arith.addi %mul3A_198, %add3A_534 : i32
        %get3A_536 = arith.index_cast %add3A_535 : i32 to index
        %get3A_537 = arith.constant 32 : index
        %get3A_538 = tpu.vector_load %arg13[%get3A_536, %get3A_537] {strides = array<i32>} : memref<640x128xf32, #tpu.memory_space<vmem>>, vector<1x16xf32>,
        %get3A_539 = vector.shape_cast %get3A_538 : vector<1x16xf32> to vector<16xf32>
        %add3A_540 = arith.addf %add3A_533, %get3A_539 : vector<16xf32>
        %add3A_541 = arith.constant 7 : i32
        %add3A_542 = arith.addi %mul3A_198, %add3A_541 : i32
        %get3A_543 = arith.index_cast %add3A_542 : i32 to index
        %get3A_544 = arith.constant 32 : index
        %get3A_545 = tpu.vector_load %arg13[%get3A_543, %get3A_544] {strides = array<i32>} : memref<640x128xf32, #tpu.memory_space<vmem>>, vector<1x16xf32>,
        %get3A_546 = vector.shape_cast %get3A_545 : vector<1x16xf32> to vector<16xf32>
        %add3A_547 = arith.addf %add3A_540, %get3A_546 : vector<16xf32>
        %add3A_548 = arith.constant 8 : i32
        %add3A_549 = arith.addi %mul3A_198, %add3A_548 : i32
        %get3A_550 = arith.index_cast %add3A_549 : i32 to index
        %get3A_551 = arith.constant 32 : index
        %get3A_552 = tpu.vector_load %arg13[%get3A_550, %get3A_551] {strides = array<i32>} : memref<640x128xf32, #tpu.memory_space<vmem>>, vector<1x16xf32>,
        %get3A_553 = vector.shape_cast %get3A_552 : vector<1x16xf32> to vector<16xf32>
        %add3A_554 = arith.addf %add3A_547, %get3A_553 : vector<16xf32>
        %add3A_555 = arith.constant 9 : i32
        %add3A_556 = arith.addi %mul3A_198, %add3A_555 : i32
        %get3A_557 = arith.index_cast %add3A_556 : i32 to index
        %get3A_558 = arith.constant 32 : index
        %get3A_559 = tpu.vector_load %arg13[%get3A_557, %get3A_558] {strides = array<i32>} : memref<640x128xf32, #tpu.memory_space<vmem>>, vector<1x16xf32>,
        %get3A_560 = vector.shape_cast %get3A_559 : vector<1x16xf32> to vector<16xf32>
        %add3A_561 = arith.addf %add3A_554, %get3A_560 : vector<16xf32>
        %add3A_562 = arith.constant 10 : i32
        %add3A_563 = arith.addi %mul3A_198, %add3A_562 : i32
        %get3A_564 = arith.index_cast %add3A_563 : i32 to index
        %get3A_565 = arith.constant 32 : index
        %get3A_566 = tpu.vector_load %arg13[%get3A_564, %get3A_565] {strides = array<i32>} : memref<640x128xf32, #tpu.memory_space<vmem>>, vector<1x16xf32>,
        %get3A_567 = vector.shape_cast %get3A_566 : vector<1x16xf32> to vector<16xf32>
        %add3A_568 = arith.addf %add3A_561, %get3A_567 : vector<16xf32>
        %add3A_569 = arith.constant 11 : i32
        %add3A_570 = arith.addi %mul3A_198, %add3A_569 : i32
        %get3A_571 = arith.index_cast %add3A_570 : i32 to index
        %get3A_572 = arith.constant 32 : index
        %get3A_573 = tpu.vector_load %arg13[%get3A_571, %get3A_572] {strides = array<i32>} : memref<640x128xf32, #tpu.memory_space<vmem>>, vector<1x16xf32>,
        %get3A_574 = vector.shape_cast %get3A_573 : vector<1x16xf32> to vector<16xf32>
        %add3A_575 = arith.addf %add3A_568, %get3A_574 : vector<16xf32>
        %add3A_576 = arith.constant 12 : i32
        %add3A_577 = arith.addi %mul3A_198, %add3A_576 : i32
        %get3A_578 = arith.index_cast %add3A_577 : i32 to index
        %get3A_579 = arith.constant 32 : index
        %get3A_580 = tpu.vector_load %arg13[%get3A_578, %get3A_579] {strides = array<i32>} : memref<640x128xf32, #tpu.memory_space<vmem>>, vector<1x16xf32>,
        %get3A_581 = vector.shape_cast %get3A_580 : vector<1x16xf32> to vector<16xf32>
        %add3A_582 = arith.addf %add3A_575, %get3A_581 : vector<16xf32>
        %add3A_583 = arith.constant 13 : i32
        %add3A_584 = arith.addi %mul3A_198, %add3A_583 : i32
        %get3A_585 = arith.index_cast %add3A_584 : i32 to index
        %get3A_586 = arith.constant 32 : index
        %get3A_587 = tpu.vector_load %arg13[%get3A_585, %get3A_586] {strides = array<i32>} : memref<640x128xf32, #tpu.memory_space<vmem>>, vector<1x16xf32>,
        %get3A_588 = vector.shape_cast %get3A_587 : vector<1x16xf32> to vector<16xf32>
        %add3A_589 = arith.addf %add3A_582, %get3A_588 : vector<16xf32>
        %add3A_590 = arith.constant 14 : i32
        %add3A_591 = arith.addi %mul3A_198, %add3A_590 : i32
        %get3A_592 = arith.index_cast %add3A_591 : i32 to index
        %get3A_593 = arith.constant 32 : index
        %get3A_594 = tpu.vector_load %arg13[%get3A_592, %get3A_593] {strides = array<i32>} : memref<640x128xf32, #tpu.memory_space<vmem>>, vector<1x16xf32>,
        %get3A_595 = vector.shape_cast %get3A_594 : vector<1x16xf32> to vector<16xf32>
        %add3A_596 = arith.addf %add3A_589, %get3A_595 : vector<16xf32>
        %add3A_597 = arith.constant 15 : i32
        %add3A_598 = arith.addi %mul3A_198, %add3A_597 : i32
        %get3A_599 = arith.index_cast %add3A_598 : i32 to index
        %get3A_600 = arith.constant 32 : index
        %get3A_601 = tpu.vector_load %arg13[%get3A_599, %get3A_600] {strides = array<i32>} : memref<640x128xf32, #tpu.memory_space<vmem>>, vector<1x16xf32>,
        %get3A_602 = vector.shape_cast %get3A_601 : vector<1x16xf32> to vector<16xf32>
        %add3A_603 = arith.addf %add3A_596, %get3A_602 : vector<16xf32>
        %add3A_604 = arith.constant 16 : i32
        %add3A_605 = arith.addi %mul3A_198, %add3A_604 : i32
        %get3A_606 = arith.index_cast %add3A_605 : i32 to index
        %get3A_607 = arith.constant 32 : index
        %get3A_608 = tpu.vector_load %arg13[%get3A_606, %get3A_607] {strides = array<i32>} : memref<640x128xf32, #tpu.memory_space<vmem>>, vector<1x16xf32>,
        %get3A_609 = vector.shape_cast %get3A_608 : vector<1x16xf32> to vector<16xf32>
        %add3A_610 = arith.addf %add3A_603, %get3A_609 : vector<16xf32>
        %add3A_611 = arith.constant 17 : i32
        %add3A_612 = arith.addi %mul3A_198, %add3A_611 : i32
        %get3A_613 = arith.index_cast %add3A_612 : i32 to index
        %get3A_614 = arith.constant 32 : index
        %get3A_615 = tpu.vector_load %arg13[%get3A_613, %get3A_614] {strides = array<i32>} : memref<640x128xf32, #tpu.memory_space<vmem>>, vector<1x16xf32>,
        %get3A_616 = vector.shape_cast %get3A_615 : vector<1x16xf32> to vector<16xf32>
        %add3A_617 = arith.addf %add3A_610, %get3A_616 : vector<16xf32>
        %add3A_618 = arith.constant 18 : i32
        %add3A_619 = arith.addi %mul3A_198, %add3A_618 : i32
        %get3A_620 = arith.index_cast %add3A_619 : i32 to index
        %get3A_621 = arith.constant 32 : index
        %get3A_622 = tpu.vector_load %arg13[%get3A_620, %get3A_621] {strides = array<i32>} : memref<640x128xf32, #tpu.memory_space<vmem>>, vector<1x16xf32>,
        %get3A_623 = vector.shape_cast %get3A_622 : vector<1x16xf32> to vector<16xf32>
        %add3A_624 = arith.addf %add3A_617, %get3A_623 : vector<16xf32>
        %add3A_625 = arith.constant 19 : i32
        %add3A_626 = arith.addi %mul3A_198, %add3A_625 : i32
        %get3A_627 = arith.index_cast %add3A_626 : i32 to index
        %get3A_628 = arith.constant 32 : index
        %get3A_629 = tpu.vector_load %arg13[%get3A_627, %get3A_628] {strides = array<i32>} : memref<640x128xf32, #tpu.memory_space<vmem>>, vector<1x16xf32>,
        %get3A_630 = vector.shape_cast %get3A_629 : vector<1x16xf32> to vector<16xf32>
        %add3A_631 = arith.addf %add3A_624, %get3A_630 : vector<16xf32>
        %mul3A_632 = arith.constant 0.0721347556 : f32
        %mul3A_633 = vector.broadcast %mul3A_632 : f32 to vector<16xf32>
        %mul3A_634 = arith.mulf %add3A_631, %mul3A_633 : vector<16xf32>
        %mul3A_635 = arith.constant 128 : i32
        %mul3A_636 = arith.muli %scan3A_195, %mul3A_635 : i32
        %add3A_637 = arith.constant 32 : i32
        %add3A_638 = arith.addi %mul3A_636, %add3A_637 : i32
        %swap3A_639 = arith.index_cast %add3A_638 : i32 to index
        %swap3A_640 = tpu.vector_load %arg14[%swap3A_639] {strides = array<i32>} : memref<4096xf32, #tpu.memory_space<vmem>>, vector<16xf32>,
        %swap3A_641 = vector.shape_cast %swap3A_640 : vector<16xf32> to vector<16xf32>
        %swap3A_642 = vector.shape_cast %mul3A_634 : vector<16xf32> to vector<16xf32>
        tpu.vector_store %arg14[%swap3A_639], %swap3A_642 {strides = array<i32>} : memref<4096xf32, #tpu.memory_space<vmem>>, vector<16xf32>,
        %get3A_643 = arith.index_cast %mul3A_198 : i32 to index
        %get3A_644 = arith.constant 48 : index
        %get3A_645 = tpu.vector_load %arg13[%get3A_643, %get3A_644] {strides = array<i32>} : memref<640x128xf32, #tpu.memory_space<vmem>>, vector<1x16xf32>,
        %get3A_646 = vector.shape_cast %get3A_645 : vector<1x16xf32> to vector<16xf32>
        %add3A_647 = arith.constant 1 : i32
        %add3A_648 = arith.addi %mul3A_198, %add3A_647 : i32
        %get3A_649 = arith.index_cast %add3A_648 : i32 to index
        %get3A_650 = arith.constant 48 : index
        %get3A_651 = tpu.vector_load %arg13[%get3A_649, %get3A_650] {strides = array<i32>} : memref<640x128xf32, #tpu.memory_space<vmem>>, vector<1x16xf32>,
        %get3A_652 = vector.shape_cast %get3A_651 : vector<1x16xf32> to vector<16xf32>
        %add3A_653 = arith.addf %get3A_646, %get3A_652 : vector<16xf32>
        %add3A_654 = arith.constant 2 : i32
        %add3A_655 = arith.addi %mul3A_198, %add3A_654 : i32
        %get3A_656 = arith.index_cast %add3A_655 : i32 to index
        %get3A_657 = arith.constant 48 : index
        %get3A_658 = tpu.vector_load %arg13[%get3A_656, %get3A_657] {strides = array<i32>} : memref<640x128xf32, #tpu.memory_space<vmem>>, vector<1x16xf32>,
        %get3A_659 = vector.shape_cast %get3A_658 : vector<1x16xf32> to vector<16xf32>
        %add3A_660 = arith.addf %add3A_653, %get3A_659 : vector<16xf32>
        %add3A_661 = arith.constant 3 : i32
        %add3A_662 = arith.addi %mul3A_198, %add3A_661 : i32
        %get3A_663 = arith.index_cast %add3A_662 : i32 to index
        %get3A_664 = arith.constant 48 : index
        %get3A_665 = tpu.vector_load %arg13[%get3A_663, %get3A_664] {strides = array<i32>} : memref<640x128xf32, #tpu.memory_space<vmem>>, vector<1x16xf32>,
        %get3A_666 = vector.shape_cast %get3A_665 : vector<1x16xf32> to vector<16xf32>
        %add3A_667 = arith.addf %add3A_660, %get3A_666 : vector<16xf32>
        %add3A_668 = arith.constant 4 : i32
        %add3A_669 = arith.addi %mul3A_198, %add3A_668 : i32
        %get3A_670 = arith.index_cast %add3A_669 : i32 to index
        %get3A_671 = arith.constant 48 : index
        %get3A_672 = tpu.vector_load %arg13[%get3A_670, %get3A_671] {strides = array<i32>} : memref<640x128xf32, #tpu.memory_space<vmem>>, vector<1x16xf32>,
        %get3A_673 = vector.shape_cast %get3A_672 : vector<1x16xf32> to vector<16xf32>
        %add3A_674 = arith.addf %add3A_667, %get3A_673 : vector<16xf32>
        %add3A_675 = arith.constant 5 : i32
        %add3A_676 = arith.addi %mul3A_198, %add3A_675 : i32
        %get3A_677 = arith.index_cast %add3A_676 : i32 to index
        %get3A_678 = arith.constant 48 : index
        %get3A_679 = tpu.vector_load %arg13[%get3A_677, %get3A_678] {strides = array<i32>} : memref<640x128xf32, #tpu.memory_space<vmem>>, vector<1x16xf32>,
        %get3A_680 = vector.shape_cast %get3A_679 : vector<1x16xf32> to vector<16xf32>
        %add3A_681 = arith.addf %add3A_674, %get3A_680 : vector<16xf32>
        %add3A_682 = arith.constant 6 : i32
        %add3A_683 = arith.addi %mul3A_198, %add3A_682 : i32
        %get3A_684 = arith.index_cast %add3A_683 : i32 to index
        %get3A_685 = arith.constant 48 : index
        %get3A_686 = tpu.vector_load %arg13[%get3A_684, %get3A_685] {strides = array<i32>} : memref<640x128xf32, #tpu.memory_space<vmem>>, vector<1x16xf32>,
        %get3A_687 = vector.shape_cast %get3A_686 : vector<1x16xf32> to vector<16xf32>
        %add3A_688 = arith.addf %add3A_681, %get3A_687 : vector<16xf32>
        %add3A_689 = arith.constant 7 : i32
        %add3A_690 = arith.addi %mul3A_198, %add3A_689 : i32
        %get3A_691 = arith.index_cast %add3A_690 : i32 to index
        %get3A_692 = arith.constant 48 : index
        %get3A_693 = tpu.vector_load %arg13[%get3A_691, %get3A_692] {strides = array<i32>} : memref<640x128xf32, #tpu.memory_space<vmem>>, vector<1x16xf32>,
        %get3A_694 = vector.shape_cast %get3A_693 : vector<1x16xf32> to vector<16xf32>
        %add3A_695 = arith.addf %add3A_688, %get3A_694 : vector<16xf32>
        %add3A_696 = arith.constant 8 : i32
        %add3A_697 = arith.addi %mul3A_198, %add3A_696 : i32
        %get3A_698 = arith.index_cast %add3A_697 : i32 to index
        %get3A_699 = arith.constant 48 : index
        %get3A_700 = tpu.vector_load %arg13[%get3A_698, %get3A_699] {strides = array<i32>} : memref<640x128xf32, #tpu.memory_space<vmem>>, vector<1x16xf32>,
        %get3A_701 = vector.shape_cast %get3A_700 : vector<1x16xf32> to vector<16xf32>
        %add3A_702 = arith.addf %add3A_695, %get3A_701 : vector<16xf32>
        %add3A_703 = arith.constant 9 : i32
        %add3A_704 = arith.addi %mul3A_198, %add3A_703 : i32
        %get3A_705 = arith.index_cast %add3A_704 : i32 to index
        %get3A_706 = arith.constant 48 : index
        %get3A_707 = tpu.vector_load %arg13[%get3A_705, %get3A_706] {strides = array<i32>} : memref<640x128xf32, #tpu.memory_space<vmem>>, vector<1x16xf32>,
        %get3A_708 = vector.shape_cast %get3A_707 : vector<1x16xf32> to vector<16xf32>
        %add3A_709 = arith.addf %add3A_702, %get3A_708 : vector<16xf32>
        %add3A_710 = arith.constant 10 : i32
        %add3A_711 = arith.addi %mul3A_198, %add3A_710 : i32
        %get3A_712 = arith.index_cast %add3A_711 : i32 to index
        %get3A_713 = arith.constant 48 : index
        %get3A_714 = tpu.vector_load %arg13[%get3A_712, %get3A_713] {strides = array<i32>} : memref<640x128xf32, #tpu.memory_space<vmem>>, vector<1x16xf32>,
        %get3A_715 = vector.shape_cast %get3A_714 : vector<1x16xf32> to vector<16xf32>
        %add3A_716 = arith.addf %add3A_709, %get3A_715 : vector<16xf32>
        %add3A_717 = arith.constant 11 : i32
        %add3A_718 = arith.addi %mul3A_198, %add3A_717 : i32
        %get3A_719 = arith.index_cast %add3A_718 : i32 to index
        %get3A_720 = arith.constant 48 : index
        %get3A_721 = tpu.vector_load %arg13[%get3A_719, %get3A_720] {strides = array<i32>} : memref<640x128xf32, #tpu.memory_space<vmem>>, vector<1x16xf32>,
        %get3A_722 = vector.shape_cast %get3A_721 : vector<1x16xf32> to vector<16xf32>
        %add3A_723 = arith.addf %add3A_716, %get3A_722 : vector<16xf32>
        %add3A_724 = arith.constant 12 : i32
        %add3A_725 = arith.addi %mul3A_198, %add3A_724 : i32
        %get3A_726 = arith.index_cast %add3A_725 : i32 to index
        %get3A_727 = arith.constant 48 : index
        %get3A_728 = tpu.vector_load %arg13[%get3A_726, %get3A_727] {strides = array<i32>} : memref<640x128xf32, #tpu.memory_space<vmem>>, vector<1x16xf32>,
        %get3A_729 = vector.shape_cast %get3A_728 : vector<1x16xf32> to vector<16xf32>
        %add3A_730 = arith.addf %add3A_723, %get3A_729 : vector<16xf32>
        %add3A_731 = arith.constant 13 : i32
        %add3A_732 = arith.addi %mul3A_198, %add3A_731 : i32
        %get3A_733 = arith.index_cast %add3A_732 : i32 to index
        %get3A_734 = arith.constant 48 : index
        %get3A_735 = tpu.vector_load %arg13[%get3A_733, %get3A_734] {strides = array<i32>} : memref<640x128xf32, #tpu.memory_space<vmem>>, vector<1x16xf32>,
        %get3A_736 = vector.shape_cast %get3A_735 : vector<1x16xf32> to vector<16xf32>
        %add3A_737 = arith.addf %add3A_730, %get3A_736 : vector<16xf32>
        %add3A_738 = arith.constant 14 : i32
        %add3A_739 = arith.addi %mul3A_198, %add3A_738 : i32
        %get3A_740 = arith.index_cast %add3A_739 : i32 to index
        %get3A_741 = arith.constant 48 : index
        %get3A_742 = tpu.vector_load %arg13[%get3A_740, %get3A_741] {strides = array<i32>} : memref<640x128xf32, #tpu.memory_space<vmem>>, vector<1x16xf32>,
        %get3A_743 = vector.shape_cast %get3A_742 : vector<1x16xf32> to vector<16xf32>
        %add3A_744 = arith.addf %add3A_737, %get3A_743 : vector<16xf32>
        %add3A_745 = arith.constant 15 : i32
        %add3A_746 = arith.addi %mul3A_198, %add3A_745 : i32
        %get3A_747 = arith.index_cast %add3A_746 : i32 to index
        %get3A_748 = arith.constant 48 : index
        %get3A_749 = tpu.vector_load %arg13[%get3A_747, %get3A_748] {strides = array<i32>} : memref<640x128xf32, #tpu.memory_space<vmem>>, vector<1x16xf32>,
        %get3A_750 = vector.shape_cast %get3A_749 : vector<1x16xf32> to vector<16xf32>
        %add3A_751 = arith.addf %add3A_744, %get3A_750 : vector<16xf32>
        %add3A_752 = arith.constant 16 : i32
        %add3A_753 = arith.addi %mul3A_198, %add3A_752 : i32
        %get3A_754 = arith.index_cast %add3A_753 : i32 to index
        %get3A_755 = arith.constant 48 : index
        %get3A_756 = tpu.vector_load %arg13[%get3A_754, %get3A_755] {strides = array<i32>} : memref<640x128xf32, #tpu.memory_space<vmem>>, vector<1x16xf32>,
        %get3A_757 = vector.shape_cast %get3A_756 : vector<1x16xf32> to vector<16xf32>
        %add3A_758 = arith.addf %add3A_751, %get3A_757 : vector<16xf32>
        %add3A_759 = arith.constant 17 : i32
        %add3A_760 = arith.addi %mul3A_198, %add3A_759 : i32
        %get3A_761 = arith.index_cast %add3A_760 : i32 to index
        %get3A_762 = arith.constant 48 : index
        %get3A_763 = tpu.vector_load %arg13[%get3A_761, %get3A_762] {strides = array<i32>} : memref<640x128xf32, #tpu.memory_space<vmem>>, vector<1x16xf32>,
        %get3A_764 = vector.shape_cast %get3A_763 : vector<1x16xf32> to vector<16xf32>
        %add3A_765 = arith.addf %add3A_758, %get3A_764 : vector<16xf32>
        %add3A_766 = arith.constant 18 : i32
        %add3A_767 = arith.addi %mul3A_198, %add3A_766 : i32
        %get3A_768 = arith.index_cast %add3A_767 : i32 to index
        %get3A_769 = arith.constant 48 : index
        %get3A_770 = tpu.vector_load %arg13[%get3A_768, %get3A_769] {strides = array<i32>} : memref<640x128xf32, #tpu.memory_space<vmem>>, vector<1x16xf32>,
        %get3A_771 = vector.shape_cast %get3A_770 : vector<1x16xf32> to vector<16xf32>
        %add3A_772 = arith.addf %add3A_765, %get3A_771 : vector<16xf32>
        %add3A_773 = arith.constant 19 : i32
        %add3A_774 = arith.addi %mul3A_198, %add3A_773 : i32
        %get3A_775 = arith.index_cast %add3A_774 : i32 to index
        %get3A_776 = arith.constant 48 : index
        %get3A_777 = tpu.vector_load %arg13[%get3A_775, %get3A_776] {strides = array<i32>} : memref<640x128xf32, #tpu.memory_space<vmem>>, vector<1x16xf32>,
        %get3A_778 = vector.shape_cast %get3A_777 : vector<1x16xf32> to vector<16xf32>
        %add3A_779 = arith.addf %add3A_772, %get3A_778 : vector<16xf32>
        %mul3A_780 = arith.constant 0.0721347556 : f32
        %mul3A_781 = vector.broadcast %mul3A_780 : f32 to vector<16xf32>
        %mul3A_782 = arith.mulf %add3A_779, %mul3A_781 : vector<16xf32>
        %mul3A_783 = arith.constant 128 : i32
        %mul3A_784 = arith.muli %scan3A_195, %mul3A_783 : i32
        %add3A_785 = arith.constant 48 : i32
        %add3A_786 = arith.addi %mul3A_784, %add3A_785 : i32
        %swap3A_787 = arith.index_cast %add3A_786 : i32 to index
        %swap3A_788 = tpu.vector_load %arg14[%swap3A_787] {strides = array<i32>} : memref<4096xf32, #tpu.memory_space<vmem>>, vector<16xf32>,
        %swap3A_789 = vector.shape_cast %swap3A_788 : vector<16xf32> to vector<16xf32>
        %swap3A_790 = vector.shape_cast %mul3A_782 : vector<16xf32> to vector<16xf32>
        tpu.vector_store %arg14[%swap3A_787], %swap3A_790 {strides = array<i32>} : memref<4096xf32, #tpu.memory_space<vmem>>, vector<16xf32>,
        %get3A_791 = arith.index_cast %mul3A_198 : i32 to index
        %get3A_792 = arith.constant 64 : index
        %get3A_793 = tpu.vector_load %arg13[%get3A_791, %get3A_792] {strides = array<i32>} : memref<640x128xf32, #tpu.memory_space<vmem>>, vector<1x16xf32>,
        %get3A_794 = vector.shape_cast %get3A_793 : vector<1x16xf32> to vector<16xf32>
        %add3A_795 = arith.constant 1 : i32
        %add3A_796 = arith.addi %mul3A_198, %add3A_795 : i32
        %get3A_797 = arith.index_cast %add3A_796 : i32 to index
        %get3A_798 = arith.constant 64 : index
        %get3A_799 = tpu.vector_load %arg13[%get3A_797, %get3A_798] {strides = array<i32>} : memref<640x128xf32, #tpu.memory_space<vmem>>, vector<1x16xf32>,
        %get3A_800 = vector.shape_cast %get3A_799 : vector<1x16xf32> to vector<16xf32>
        %add3A_801 = arith.addf %get3A_794, %get3A_800 : vector<16xf32>
        %add3A_802 = arith.constant 2 : i32
        %add3A_803 = arith.addi %mul3A_198, %add3A_802 : i32
        %get3A_804 = arith.index_cast %add3A_803 : i32 to index
        %get3A_805 = arith.constant 64 : index
        %get3A_806 = tpu.vector_load %arg13[%get3A_804, %get3A_805] {strides = array<i32>} : memref<640x128xf32, #tpu.memory_space<vmem>>, vector<1x16xf32>,
        %get3A_807 = vector.shape_cast %get3A_806 : vector<1x16xf32> to vector<16xf32>
        %add3A_808 = arith.addf %add3A_801, %get3A_807 : vector<16xf32>
        %add3A_809 = arith.constant 3 : i32
        %add3A_810 = arith.addi %mul3A_198, %add3A_809 : i32
        %get3A_811 = arith.index_cast %add3A_810 : i32 to index
        %get3A_812 = arith.constant 64 : index
        %get3A_813 = tpu.vector_load %arg13[%get3A_811, %get3A_812] {strides = array<i32>} : memref<640x128xf32, #tpu.memory_space<vmem>>, vector<1x16xf32>,
        %get3A_814 = vector.shape_cast %get3A_813 : vector<1x16xf32> to vector<16xf32>
        %add3A_815 = arith.addf %add3A_808, %get3A_814 : vector<16xf32>
        %add3A_816 = arith.constant 4 : i32
        %add3A_817 = arith.addi %mul3A_198, %add3A_816 : i32
        %get3A_818 = arith.index_cast %add3A_817 : i32 to index
        %get3A_819 = arith.constant 64 : index
        %get3A_820 = tpu.vector_load %arg13[%get3A_818, %get3A_819] {strides = array<i32>} : memref<640x128xf32, #tpu.memory_space<vmem>>, vector<1x16xf32>,
        %get3A_821 = vector.shape_cast %get3A_820 : vector<1x16xf32> to vector<16xf32>
        %add3A_822 = arith.addf %add3A_815, %get3A_821 : vector<16xf32>
        %add3A_823 = arith.constant 5 : i32
        %add3A_824 = arith.addi %mul3A_198, %add3A_823 : i32
        %get3A_825 = arith.index_cast %add3A_824 : i32 to index
        %get3A_826 = arith.constant 64 : index
        %get3A_827 = tpu.vector_load %arg13[%get3A_825, %get3A_826] {strides = array<i32>} : memref<640x128xf32, #tpu.memory_space<vmem>>, vector<1x16xf32>,
        %get3A_828 = vector.shape_cast %get3A_827 : vector<1x16xf32> to vector<16xf32>
        %add3A_829 = arith.addf %add3A_822, %get3A_828 : vector<16xf32>
        %add3A_830 = arith.constant 6 : i32
        %add3A_831 = arith.addi %mul3A_198, %add3A_830 : i32
        %get3A_832 = arith.index_cast %add3A_831 : i32 to index
        %get3A_833 = arith.constant 64 : index
        %get3A_834 = tpu.vector_load %arg13[%get3A_832, %get3A_833] {strides = array<i32>} : memref<640x128xf32, #tpu.memory_space<vmem>>, vector<1x16xf32>,
        %get3A_835 = vector.shape_cast %get3A_834 : vector<1x16xf32> to vector<16xf32>
        %add3A_836 = arith.addf %add3A_829, %get3A_835 : vector<16xf32>
        %add3A_837 = arith.constant 7 : i32
        %add3A_838 = arith.addi %mul3A_198, %add3A_837 : i32
        %get3A_839 = arith.index_cast %add3A_838 : i32 to index
        %get3A_840 = arith.constant 64 : index
        %get3A_841 = tpu.vector_load %arg13[%get3A_839, %get3A_840] {strides = array<i32>} : memref<640x128xf32, #tpu.memory_space<vmem>>, vector<1x16xf32>,
        %get3A_842 = vector.shape_cast %get3A_841 : vector<1x16xf32> to vector<16xf32>
        %add3A_843 = arith.addf %add3A_836, %get3A_842 : vector<16xf32>
        %add3A_844 = arith.constant 8 : i32
        %add3A_845 = arith.addi %mul3A_198, %add3A_844 : i32
        %get3A_846 = arith.index_cast %add3A_845 : i32 to index
        %get3A_847 = arith.constant 64 : index
        %get3A_848 = tpu.vector_load %arg13[%get3A_846, %get3A_847] {strides = array<i32>} : memref<640x128xf32, #tpu.memory_space<vmem>>, vector<1x16xf32>,
        %get3A_849 = vector.shape_cast %get3A_848 : vector<1x16xf32> to vector<16xf32>
        %add3A_850 = arith.addf %add3A_843, %get3A_849 : vector<16xf32>
        %add3A_851 = arith.constant 9 : i32
        %add3A_852 = arith.addi %mul3A_198, %add3A_851 : i32
        %get3A_853 = arith.index_cast %add3A_852 : i32 to index
        %get3A_854 = arith.constant 64 : index
        %get3A_855 = tpu.vector_load %arg13[%get3A_853, %get3A_854] {strides = array<i32>} : memref<640x128xf32, #tpu.memory_space<vmem>>, vector<1x16xf32>,
        %get3A_856 = vector.shape_cast %get3A_855 : vector<1x16xf32> to vector<16xf32>
        %add3A_857 = arith.addf %add3A_850, %get3A_856 : vector<16xf32>
        %add3A_858 = arith.constant 10 : i32
        %add3A_859 = arith.addi %mul3A_198, %add3A_858 : i32
        %get3A_860 = arith.index_cast %add3A_859 : i32 to index
        %get3A_861 = arith.constant 64 : index
        %get3A_862 = tpu.vector_load %arg13[%get3A_860, %get3A_861] {strides = array<i32>} : memref<640x128xf32, #tpu.memory_space<vmem>>, vector<1x16xf32>,
        %get3A_863 = vector.shape_cast %get3A_862 : vector<1x16xf32> to vector<16xf32>
        %add3A_864 = arith.addf %add3A_857, %get3A_863 : vector<16xf32>
        %add3A_865 = arith.constant 11 : i32
        %add3A_866 = arith.addi %mul3A_198, %add3A_865 : i32
        %get3A_867 = arith.index_cast %add3A_866 : i32 to index
        %get3A_868 = arith.constant 64 : index
        %get3A_869 = tpu.vector_load %arg13[%get3A_867, %get3A_868] {strides = array<i32>} : memref<640x128xf32, #tpu.memory_space<vmem>>, vector<1x16xf32>,
        %get3A_870 = vector.shape_cast %get3A_869 : vector<1x16xf32> to vector<16xf32>
        %add3A_871 = arith.addf %add3A_864, %get3A_870 : vector<16xf32>
        %add3A_872 = arith.constant 12 : i32
        %add3A_873 = arith.addi %mul3A_198, %add3A_872 : i32
        %get3A_874 = arith.index_cast %add3A_873 : i32 to index
        %get3A_875 = arith.constant 64 : index
        %get3A_876 = tpu.vector_load %arg13[%get3A_874, %get3A_875] {strides = array<i32>} : memref<640x128xf32, #tpu.memory_space<vmem>>, vector<1x16xf32>,
        %get3A_877 = vector.shape_cast %get3A_876 : vector<1x16xf32> to vector<16xf32>
        %add3A_878 = arith.addf %add3A_871, %get3A_877 : vector<16xf32>
        %add3A_879 = arith.constant 13 : i32
        %add3A_880 = arith.addi %mul3A_198, %add3A_879 : i32
        %get3A_881 = arith.index_cast %add3A_880 : i32 to index
        %get3A_882 = arith.constant 64 : index
        %get3A_883 = tpu.vector_load %arg13[%get3A_881, %get3A_882] {strides = array<i32>} : memref<640x128xf32, #tpu.memory_space<vmem>>, vector<1x16xf32>,
        %get3A_884 = vector.shape_cast %get3A_883 : vector<1x16xf32> to vector<16xf32>
        %add3A_885 = arith.addf %add3A_878, %get3A_884 : vector<16xf32>
        %add3A_886 = arith.constant 14 : i32
        %add3A_887 = arith.addi %mul3A_198, %add3A_886 : i32
        %get3A_888 = arith.index_cast %add3A_887 : i32 to index
        %get3A_889 = arith.constant 64 : index
        %get3A_890 = tpu.vector_load %arg13[%get3A_888, %get3A_889] {strides = array<i32>} : memref<640x128xf32, #tpu.memory_space<vmem>>, vector<1x16xf32>,
        %get3A_891 = vector.shape_cast %get3A_890 : vector<1x16xf32> to vector<16xf32>
        %add3A_892 = arith.addf %add3A_885, %get3A_891 : vector<16xf32>
        %add3A_893 = arith.constant 15 : i32
        %add3A_894 = arith.addi %mul3A_198, %add3A_893 : i32
        %get3A_895 = arith.index_cast %add3A_894 : i32 to index
        %get3A_896 = arith.constant 64 : index
        %get3A_897 = tpu.vector_load %arg13[%get3A_895, %get3A_896] {strides = array<i32>} : memref<640x128xf32, #tpu.memory_space<vmem>>, vector<1x16xf32>,
        %get3A_898 = vector.shape_cast %get3A_897 : vector<1x16xf32> to vector<16xf32>
        %add3A_899 = arith.addf %add3A_892, %get3A_898 : vector<16xf32>
        %add3A_900 = arith.constant 16 : i32
        %add3A_901 = arith.addi %mul3A_198, %add3A_900 : i32
        %get3A_902 = arith.index_cast %add3A_901 : i32 to index
        %get3A_903 = arith.constant 64 : index
        %get3A_904 = tpu.vector_load %arg13[%get3A_902, %get3A_903] {strides = array<i32>} : memref<640x128xf32, #tpu.memory_space<vmem>>, vector<1x16xf32>,
        %get3A_905 = vector.shape_cast %get3A_904 : vector<1x16xf32> to vector<16xf32>
        %add3A_906 = arith.addf %add3A_899, %get3A_905 : vector<16xf32>
        %add3A_907 = arith.constant 17 : i32
        %add3A_908 = arith.addi %mul3A_198, %add3A_907 : i32
        %get3A_909 = arith.index_cast %add3A_908 : i32 to index
        %get3A_910 = arith.constant 64 : index
        %get3A_911 = tpu.vector_load %arg13[%get3A_909, %get3A_910] {strides = array<i32>} : memref<640x128xf32, #tpu.memory_space<vmem>>, vector<1x16xf32>,
        %get3A_912 = vector.shape_cast %get3A_911 : vector<1x16xf32> to vector<16xf32>
        %add3A_913 = arith.addf %add3A_906, %get3A_912 : vector<16xf32>
        %add3A_914 = arith.constant 18 : i32
        %add3A_915 = arith.addi %mul3A_198, %add3A_914 : i32
        %get3A_916 = arith.index_cast %add3A_915 : i32 to index
        %get3A_917 = arith.constant 64 : index
        %get3A_918 = tpu.vector_load %arg13[%get3A_916, %get3A_917] {strides = array<i32>} : memref<640x128xf32, #tpu.memory_space<vmem>>, vector<1x16xf32>,
        %get3A_919 = vector.shape_cast %get3A_918 : vector<1x16xf32> to vector<16xf32>
        %add3A_920 = arith.addf %add3A_913, %get3A_919 : vector<16xf32>
        %add3A_921 = arith.constant 19 : i32
        %add3A_922 = arith.addi %mul3A_198, %add3A_921 : i32
        %get3A_923 = arith.index_cast %add3A_922 : i32 to index
        %get3A_924 = arith.constant 64 : index
        %get3A_925 = tpu.vector_load %arg13[%get3A_923, %get3A_924] {strides = array<i32>} : memref<640x128xf32, #tpu.memory_space<vmem>>, vector<1x16xf32>,
        %get3A_926 = vector.shape_cast %get3A_925 : vector<1x16xf32> to vector<16xf32>
        %add3A_927 = arith.addf %add3A_920, %get3A_926 : vector<16xf32>
        %mul3A_928 = arith.constant 0.0721347556 : f32
        %mul3A_929 = vector.broadcast %mul3A_928 : f32 to vector<16xf32>
        %mul3A_930 = arith.mulf %add3A_927, %mul3A_929 : vector<16xf32>
        %mul3A_931 = arith.constant 128 : i32
        %mul3A_932 = arith.muli %scan3A_195, %mul3A_931 : i32
        %add3A_933 = arith.constant 64 : i32
        %add3A_934 = arith.addi %mul3A_932, %add3A_933 : i32
        %swap3A_935 = arith.index_cast %add3A_934 : i32 to index
        %swap3A_936 = tpu.vector_load %arg14[%swap3A_935] {strides = array<i32>} : memref<4096xf32, #tpu.memory_space<vmem>>, vector<16xf32>,
        %swap3A_937 = vector.shape_cast %swap3A_936 : vector<16xf32> to vector<16xf32>
        %swap3A_938 = vector.shape_cast %mul3A_930 : vector<16xf32> to vector<16xf32>
        tpu.vector_store %arg14[%swap3A_935], %swap3A_938 {strides = array<i32>} : memref<4096xf32, #tpu.memory_space<vmem>>, vector<16xf32>,
        %get3A_939 = arith.index_cast %mul3A_198 : i32 to index
        %get3A_940 = arith.constant 80 : index
        %get3A_941 = tpu.vector_load %arg13[%get3A_939, %get3A_940] {strides = array<i32>} : memref<640x128xf32, #tpu.memory_space<vmem>>, vector<1x16xf32>,
        %get3A_942 = vector.shape_cast %get3A_941 : vector<1x16xf32> to vector<16xf32>
        %add3A_943 = arith.constant 1 : i32
        %add3A_944 = arith.addi %mul3A_198, %add3A_943 : i32
        %get3A_945 = arith.index_cast %add3A_944 : i32 to index
        %get3A_946 = arith.constant 80 : index
        %get3A_947 = tpu.vector_load %arg13[%get3A_945, %get3A_946] {strides = array<i32>} : memref<640x128xf32, #tpu.memory_space<vmem>>, vector<1x16xf32>,
        %get3A_948 = vector.shape_cast %get3A_947 : vector<1x16xf32> to vector<16xf32>
        %add3A_949 = arith.addf %get3A_942, %get3A_948 : vector<16xf32>
        %add3A_950 = arith.constant 2 : i32
        %add3A_951 = arith.addi %mul3A_198, %add3A_950 : i32
        %get3A_952 = arith.index_cast %add3A_951 : i32 to index
        %get3A_953 = arith.constant 80 : index
        %get3A_954 = tpu.vector_load %arg13[%get3A_952, %get3A_953] {strides = array<i32>} : memref<640x128xf32, #tpu.memory_space<vmem>>, vector<1x16xf32>,
        %get3A_955 = vector.shape_cast %get3A_954 : vector<1x16xf32> to vector<16xf32>
        %add3A_956 = arith.addf %add3A_949, %get3A_955 : vector<16xf32>
        %add3A_957 = arith.constant 3 : i32
        %add3A_958 = arith.addi %mul3A_198, %add3A_957 : i32
        %get3A_959 = arith.index_cast %add3A_958 : i32 to index
        %get3A_960 = arith.constant 80 : index
        %get3A_961 = tpu.vector_load %arg13[%get3A_959, %get3A_960] {strides = array<i32>} : memref<640x128xf32, #tpu.memory_space<vmem>>, vector<1x16xf32>,
        %get3A_962 = vector.shape_cast %get3A_961 : vector<1x16xf32> to vector<16xf32>
        %add3A_963 = arith.addf %add3A_956, %get3A_962 : vector<16xf32>
        %add3A_964 = arith.constant 4 : i32
        %add3A_965 = arith.addi %mul3A_198, %add3A_964 : i32
        %get3A_966 = arith.index_cast %add3A_965 : i32 to index
        %get3A_967 = arith.constant 80 : index
        %get3A_968 = tpu.vector_load %arg13[%get3A_966, %get3A_967] {strides = array<i32>} : memref<640x128xf32, #tpu.memory_space<vmem>>, vector<1x16xf32>,
        %get3A_969 = vector.shape_cast %get3A_968 : vector<1x16xf32> to vector<16xf32>
        %add3A_970 = arith.addf %add3A_963, %get3A_969 : vector<16xf32>
        %add3A_971 = arith.constant 5 : i32
        %add3A_972 = arith.addi %mul3A_198, %add3A_971 : i32
        %get3A_973 = arith.index_cast %add3A_972 : i32 to index
        %get3A_974 = arith.constant 80 : index
        %get3A_975 = tpu.vector_load %arg13[%get3A_973, %get3A_974] {strides = array<i32>} : memref<640x128xf32, #tpu.memory_space<vmem>>, vector<1x16xf32>,
        %get3A_976 = vector.shape_cast %get3A_975 : vector<1x16xf32> to vector<16xf32>
        %add3A_977 = arith.addf %add3A_970, %get3A_976 : vector<16xf32>
        %add3A_978 = arith.constant 6 : i32
        %add3A_979 = arith.addi %mul3A_198, %add3A_978 : i32
        %get3A_980 = arith.index_cast %add3A_979 : i32 to index
        %get3A_981 = arith.constant 80 : index
        %get3A_982 = tpu.vector_load %arg13[%get3A_980, %get3A_981] {strides = array<i32>} : memref<640x128xf32, #tpu.memory_space<vmem>>, vector<1x16xf32>,
        %get3A_983 = vector.shape_cast %get3A_982 : vector<1x16xf32> to vector<16xf32>
        %add3A_984 = arith.addf %add3A_977, %get3A_983 : vector<16xf32>
        %add3A_985 = arith.constant 7 : i32
        %add3A_986 = arith.addi %mul3A_198, %add3A_985 : i32
        %get3A_987 = arith.index_cast %add3A_986 : i32 to index
        %get3A_988 = arith.constant 80 : index
        %get3A_989 = tpu.vector_load %arg13[%get3A_987, %get3A_988] {strides = array<i32>} : memref<640x128xf32, #tpu.memory_space<vmem>>, vector<1x16xf32>,
        %get3A_990 = vector.shape_cast %get3A_989 : vector<1x16xf32> to vector<16xf32>
        %add3A_991 = arith.addf %add3A_984, %get3A_990 : vector<16xf32>
        %add3A_992 = arith.constant 8 : i32
        %add3A_993 = arith.addi %mul3A_198, %add3A_992 : i32
        %get3A_994 = arith.index_cast %add3A_993 : i32 to index
        %get3A_995 = arith.constant 80 : index
        %get3A_996 = tpu.vector_load %arg13[%get3A_994, %get3A_995] {strides = array<i32>} : memref<640x128xf32, #tpu.memory_space<vmem>>, vector<1x16xf32>,
        %get3A_997 = vector.shape_cast %get3A_996 : vector<1x16xf32> to vector<16xf32>
        %add3A_998 = arith.addf %add3A_991, %get3A_997 : vector<16xf32>
        %add3A_999 = arith.constant 9 : i32
        %add3A_1000 = arith.addi %mul3A_198, %add3A_999 : i32
        %get3A_1001 = arith.index_cast %add3A_1000 : i32 to index
        %get3A_1002 = arith.constant 80 : index
        %get3A_1003 = tpu.vector_load %arg13[%get3A_1001, %get3A_1002] {strides = array<i32>} : memref<640x128xf32, #tpu.memory_space<vmem>>, vector<1x16xf32>,
        %get3A_1004 = vector.shape_cast %get3A_1003 : vector<1x16xf32> to vector<16xf32>
        %add3A_1005 = arith.addf %add3A_998, %get3A_1004 : vector<16xf32>
        %add3A_1006 = arith.constant 10 : i32
        %add3A_1007 = arith.addi %mul3A_198, %add3A_1006 : i32
        %get3A_1008 = arith.index_cast %add3A_1007 : i32 to index
        %get3A_1009 = arith.constant 80 : index
        %get3A_1010 = tpu.vector_load %arg13[%get3A_1008, %get3A_1009] {strides = array<i32>} : memref<640x128xf32, #tpu.memory_space<vmem>>, vector<1x16xf32>,
        %get3A_1011 = vector.shape_cast %get3A_1010 : vector<1x16xf32> to vector<16xf32>
        %add3A_1012 = arith.addf %add3A_1005, %get3A_1011 : vector<16xf32>
        %add3A_1013 = arith.constant 11 : i32
        %add3A_1014 = arith.addi %mul3A_198, %add3A_1013 : i32
        %get3A_1015 = arith.index_cast %add3A_1014 : i32 to index
        %get3A_1016 = arith.constant 80 : index
        %get3A_1017 = tpu.vector_load %arg13[%get3A_1015, %get3A_1016] {strides = array<i32>} : memref<640x128xf32, #tpu.memory_space<vmem>>, vector<1x16xf32>,
        %get3A_1018 = vector.shape_cast %get3A_1017 : vector<1x16xf32> to vector<16xf32>
        %add3A_1019 = arith.addf %add3A_1012, %get3A_1018 : vector<16xf32>
        %add3A_1020 = arith.constant 12 : i32
        %add3A_1021 = arith.addi %mul3A_198, %add3A_1020 : i32
        %get3A_1022 = arith.index_cast %add3A_1021 : i32 to index
        %get3A_1023 = arith.constant 80 : index
        %get3A_1024 = tpu.vector_load %arg13[%get3A_1022, %get3A_1023] {strides = array<i32>} : memref<640x128xf32, #tpu.memory_space<vmem>>, vector<1x16xf32>,
        %get3A_1025 = vector.shape_cast %get3A_1024 : vector<1x16xf32> to vector<16xf32>
        %add3A_1026 = arith.addf %add3A_1019, %get3A_1025 : vector<16xf32>
        %add3A_1027 = arith.constant 13 : i32
        %add3A_1028 = arith.addi %mul3A_198, %add3A_1027 : i32
        %get3A_1029 = arith.index_cast %add3A_1028 : i32 to index
        %get3A_1030 = arith.constant 80 : index
        %get3A_1031 = tpu.vector_load %arg13[%get3A_1029, %get3A_1030] {strides = array<i32>} : memref<640x128xf32, #tpu.memory_space<vmem>>, vector<1x16xf32>,
        %get3A_1032 = vector.shape_cast %get3A_1031 : vector<1x16xf32> to vector<16xf32>
        %add3A_1033 = arith.addf %add3A_1026, %get3A_1032 : vector<16xf32>
        %add3A_1034 = arith.constant 14 : i32
        %add3A_1035 = arith.addi %mul3A_198, %add3A_1034 : i32
        %get3A_1036 = arith.index_cast %add3A_1035 : i32 to index
        %get3A_1037 = arith.constant 80 : index
        %get3A_1038 = tpu.vector_load %arg13[%get3A_1036, %get3A_1037] {strides = array<i32>} : memref<640x128xf32, #tpu.memory_space<vmem>>, vector<1x16xf32>,
        %get3A_1039 = vector.shape_cast %get3A_1038 : vector<1x16xf32> to vector<16xf32>
        %add3A_1040 = arith.addf %add3A_1033, %get3A_1039 : vector<16xf32>
        %add3A_1041 = arith.constant 15 : i32
        %add3A_1042 = arith.addi %mul3A_198, %add3A_1041 : i32
        %get3A_1043 = arith.index_cast %add3A_1042 : i32 to index
        %get3A_1044 = arith.constant 80 : index
        %get3A_1045 = tpu.vector_load %arg13[%get3A_1043, %get3A_1044] {strides = array<i32>} : memref<640x128xf32, #tpu.memory_space<vmem>>, vector<1x16xf32>,
        %get3A_1046 = vector.shape_cast %get3A_1045 : vector<1x16xf32> to vector<16xf32>
        %add3A_1047 = arith.addf %add3A_1040, %get3A_1046 : vector<16xf32>
        %add3A_1048 = arith.constant 16 : i32
        %add3A_1049 = arith.addi %mul3A_198, %add3A_1048 : i32
        %get3A_1050 = arith.index_cast %add3A_1049 : i32 to index
        %get3A_1051 = arith.constant 80 : index
        %get3A_1052 = tpu.vector_load %arg13[%get3A_1050, %get3A_1051] {strides = array<i32>} : memref<640x128xf32, #tpu.memory_space<vmem>>, vector<1x16xf32>,
        %get3A_1053 = vector.shape_cast %get3A_1052 : vector<1x16xf32> to vector<16xf32>
        %add3A_1054 = arith.addf %add3A_1047, %get3A_1053 : vector<16xf32>
        %add3A_1055 = arith.constant 17 : i32
        %add3A_1056 = arith.addi %mul3A_198, %add3A_1055 : i32
        %get3A_1057 = arith.index_cast %add3A_1056 : i32 to index
        %get3A_1058 = arith.constant 80 : index
        %get3A_1059 = tpu.vector_load %arg13[%get3A_1057, %get3A_1058] {strides = array<i32>} : memref<640x128xf32, #tpu.memory_space<vmem>>, vector<1x16xf32>,
        %get3A_1060 = vector.shape_cast %get3A_1059 : vector<1x16xf32> to vector<16xf32>
        %add3A_1061 = arith.addf %add3A_1054, %get3A_1060 : vector<16xf32>
        %add3A_1062 = arith.constant 18 : i32
        %add3A_1063 = arith.addi %mul3A_198, %add3A_1062 : i32
        %get3A_1064 = arith.index_cast %add3A_1063 : i32 to index
        %get3A_1065 = arith.constant 80 : index
        %get3A_1066 = tpu.vector_load %arg13[%get3A_1064, %get3A_1065] {strides = array<i32>} : memref<640x128xf32, #tpu.memory_space<vmem>>, vector<1x16xf32>,
        %get3A_1067 = vector.shape_cast %get3A_1066 : vector<1x16xf32> to vector<16xf32>
        %add3A_1068 = arith.addf %add3A_1061, %get3A_1067 : vector<16xf32>
        %add3A_1069 = arith.constant 19 : i32
        %add3A_1070 = arith.addi %mul3A_198, %add3A_1069 : i32
        %get3A_1071 = arith.index_cast %add3A_1070 : i32 to index
        %get3A_1072 = arith.constant 80 : index
        %get3A_1073 = tpu.vector_load %arg13[%get3A_1071, %get3A_1072] {strides = array<i32>} : memref<640x128xf32, #tpu.memory_space<vmem>>, vector<1x16xf32>,
        %get3A_1074 = vector.shape_cast %get3A_1073 : vector<1x16xf32> to vector<16xf32>
        %add3A_1075 = arith.addf %add3A_1068, %get3A_1074 : vector<16xf32>
        %mul3A_1076 = arith.constant 0.0721347556 : f32
        %mul3A_1077 = vector.broadcast %mul3A_1076 : f32 to vector<16xf32>
        %mul3A_1078 = arith.mulf %add3A_1075, %mul3A_1077 : vector<16xf32>
        %mul3A_1079 = arith.constant 128 : i32
        %mul3A_1080 = arith.muli %scan3A_195, %mul3A_1079 : i32
        %add3A_1081 = arith.constant 80 : i32
        %add3A_1082 = arith.addi %mul3A_1080, %add3A_1081 : i32
        %swap3A_1083 = arith.index_cast %add3A_1082 : i32 to index
        %swap3A_1084 = tpu.vector_load %arg14[%swap3A_1083] {strides = array<i32>} : memref<4096xf32, #tpu.memory_space<vmem>>, vector<16xf32>,
        %swap3A_1085 = vector.shape_cast %swap3A_1084 : vector<16xf32> to vector<16xf32>
        %swap3A_1086 = vector.shape_cast %mul3A_1078 : vector<16xf32> to vector<16xf32>
        tpu.vector_store %arg14[%swap3A_1083], %swap3A_1086 {strides = array<i32>} : memref<4096xf32, #tpu.memory_space<vmem>>, vector<16xf32>,
        %get3A_1087 = arith.index_cast %mul3A_198 : i32 to index
        %get3A_1088 = arith.constant 96 : index
        %get3A_1089 = tpu.vector_load %arg13[%get3A_1087, %get3A_1088] {strides = array<i32>} : memref<640x128xf32, #tpu.memory_space<vmem>>, vector<1x16xf32>,
        %get3A_1090 = vector.shape_cast %get3A_1089 : vector<1x16xf32> to vector<16xf32>
        %add3A_1091 = arith.constant 1 : i32
        %add3A_1092 = arith.addi %mul3A_198, %add3A_1091 : i32
        %get3A_1093 = arith.index_cast %add3A_1092 : i32 to index
        %get3A_1094 = arith.constant 96 : index
        %get3A_1095 = tpu.vector_load %arg13[%get3A_1093, %get3A_1094] {strides = array<i32>} : memref<640x128xf32, #tpu.memory_space<vmem>>, vector<1x16xf32>,
        %get3A_1096 = vector.shape_cast %get3A_1095 : vector<1x16xf32> to vector<16xf32>
        %add3A_1097 = arith.addf %get3A_1090, %get3A_1096 : vector<16xf32>
        %add3A_1098 = arith.constant 2 : i32
        %add3A_1099 = arith.addi %mul3A_198, %add3A_1098 : i32
        %get3A_1100 = arith.index_cast %add3A_1099 : i32 to index
        %get3A_1101 = arith.constant 96 : index
        %get3A_1102 = tpu.vector_load %arg13[%get3A_1100, %get3A_1101] {strides = array<i32>} : memref<640x128xf32, #tpu.memory_space<vmem>>, vector<1x16xf32>,
        %get3A_1103 = vector.shape_cast %get3A_1102 : vector<1x16xf32> to vector<16xf32>
        %add3A_1104 = arith.addf %add3A_1097, %get3A_1103 : vector<16xf32>
        %add3A_1105 = arith.constant 3 : i32
        %add3A_1106 = arith.addi %mul3A_198, %add3A_1105 : i32
        %get3A_1107 = arith.index_cast %add3A_1106 : i32 to index
        %get3A_1108 = arith.constant 96 : index
        %get3A_1109 = tpu.vector_load %arg13[%get3A_1107, %get3A_1108] {strides = array<i32>} : memref<640x128xf32, #tpu.memory_space<vmem>>, vector<1x16xf32>,
        %get3A_1110 = vector.shape_cast %get3A_1109 : vector<1x16xf32> to vector<16xf32>
        %add3A_1111 = arith.addf %add3A_1104, %get3A_1110 : vector<16xf32>
        %add3A_1112 = arith.constant 4 : i32
        %add3A_1113 = arith.addi %mul3A_198, %add3A_1112 : i32
        %get3A_1114 = arith.index_cast %add3A_1113 : i32 to index
        %get3A_1115 = arith.constant 96 : index
        %get3A_1116 = tpu.vector_load %arg13[%get3A_1114, %get3A_1115] {strides = array<i32>} : memref<640x128xf32, #tpu.memory_space<vmem>>, vector<1x16xf32>,
        %get3A_1117 = vector.shape_cast %get3A_1116 : vector<1x16xf32> to vector<16xf32>
        %add3A_1118 = arith.addf %add3A_1111, %get3A_1117 : vector<16xf32>
        %add3A_1119 = arith.constant 5 : i32
        %add3A_1120 = arith.addi %mul3A_198, %add3A_1119 : i32
        %get3A_1121 = arith.index_cast %add3A_1120 : i32 to index
        %get3A_1122 = arith.constant 96 : index
        %get3A_1123 = tpu.vector_load %arg13[%get3A_1121, %get3A_1122] {strides = array<i32>} : memref<640x128xf32, #tpu.memory_space<vmem>>, vector<1x16xf32>,
        %get3A_1124 = vector.shape_cast %get3A_1123 : vector<1x16xf32> to vector<16xf32>
        %add3A_1125 = arith.addf %add3A_1118, %get3A_1124 : vector<16xf32>
        %add3A_1126 = arith.constant 6 : i32
        %add3A_1127 = arith.addi %mul3A_198, %add3A_1126 : i32
        %get3A_1128 = arith.index_cast %add3A_1127 : i32 to index
        %get3A_1129 = arith.constant 96 : index
        %get3A_1130 = tpu.vector_load %arg13[%get3A_1128, %get3A_1129] {strides = array<i32>} : memref<640x128xf32, #tpu.memory_space<vmem>>, vector<1x16xf32>,
        %get3A_1131 = vector.shape_cast %get3A_1130 : vector<1x16xf32> to vector<16xf32>
        %add3A_1132 = arith.addf %add3A_1125, %get3A_1131 : vector<16xf32>
        %add3A_1133 = arith.constant 7 : i32
        %add3A_1134 = arith.addi %mul3A_198, %add3A_1133 : i32
        %get3A_1135 = arith.index_cast %add3A_1134 : i32 to index
        %get3A_1136 = arith.constant 96 : index
        %get3A_1137 = tpu.vector_load %arg13[%get3A_1135, %get3A_1136] {strides = array<i32>} : memref<640x128xf32, #tpu.memory_space<vmem>>, vector<1x16xf32>,
        %get3A_1138 = vector.shape_cast %get3A_1137 : vector<1x16xf32> to vector<16xf32>
        %add3A_1139 = arith.addf %add3A_1132, %get3A_1138 : vector<16xf32>
        %add3A_1140 = arith.constant 8 : i32
        %add3A_1141 = arith.addi %mul3A_198, %add3A_1140 : i32
        %get3A_1142 = arith.index_cast %add3A_1141 : i32 to index
        %get3A_1143 = arith.constant 96 : index
        %get3A_1144 = tpu.vector_load %arg13[%get3A_1142, %get3A_1143] {strides = array<i32>} : memref<640x128xf32, #tpu.memory_space<vmem>>, vector<1x16xf32>,
        %get3A_1145 = vector.shape_cast %get3A_1144 : vector<1x16xf32> to vector<16xf32>
        %add3A_1146 = arith.addf %add3A_1139, %get3A_1145 : vector<16xf32>
        %add3A_1147 = arith.constant 9 : i32
        %add3A_1148 = arith.addi %mul3A_198, %add3A_1147 : i32
        %get3A_1149 = arith.index_cast %add3A_1148 : i32 to index
        %get3A_1150 = arith.constant 96 : index
        %get3A_1151 = tpu.vector_load %arg13[%get3A_1149, %get3A_1150] {strides = array<i32>} : memref<640x128xf32, #tpu.memory_space<vmem>>, vector<1x16xf32>,
        %get3A_1152 = vector.shape_cast %get3A_1151 : vector<1x16xf32> to vector<16xf32>
        %add3A_1153 = arith.addf %add3A_1146, %get3A_1152 : vector<16xf32>
        %add3A_1154 = arith.constant 10 : i32
        %add3A_1155 = arith.addi %mul3A_198, %add3A_1154 : i32
        %get3A_1156 = arith.index_cast %add3A_1155 : i32 to index
        %get3A_1157 = arith.constant 96 : index
        %get3A_1158 = tpu.vector_load %arg13[%get3A_1156, %get3A_1157] {strides = array<i32>} : memref<640x128xf32, #tpu.memory_space<vmem>>, vector<1x16xf32>,
        %get3A_1159 = vector.shape_cast %get3A_1158 : vector<1x16xf32> to vector<16xf32>
        %add3A_1160 = arith.addf %add3A_1153, %get3A_1159 : vector<16xf32>
        %add3A_1161 = arith.constant 11 : i32
        %add3A_1162 = arith.addi %mul3A_198, %add3A_1161 : i32
        %get3A_1163 = arith.index_cast %add3A_1162 : i32 to index
        %get3A_1164 = arith.constant 96 : index
        %get3A_1165 = tpu.vector_load %arg13[%get3A_1163, %get3A_1164] {strides = array<i32>} : memref<640x128xf32, #tpu.memory_space<vmem>>, vector<1x16xf32>,
        %get3A_1166 = vector.shape_cast %get3A_1165 : vector<1x16xf32> to vector<16xf32>
        %add3A_1167 = arith.addf %add3A_1160, %get3A_1166 : vector<16xf32>
        %add3A_1168 = arith.constant 12 : i32
        %add3A_1169 = arith.addi %mul3A_198, %add3A_1168 : i32
        %get3A_1170 = arith.index_cast %add3A_1169 : i32 to index
        %get3A_1171 = arith.constant 96 : index
        %get3A_1172 = tpu.vector_load %arg13[%get3A_1170, %get3A_1171] {strides = array<i32>} : memref<640x128xf32, #tpu.memory_space<vmem>>, vector<1x16xf32>,
        %get3A_1173 = vector.shape_cast %get3A_1172 : vector<1x16xf32> to vector<16xf32>
        %add3A_1174 = arith.addf %add3A_1167, %get3A_1173 : vector<16xf32>
        %add3A_1175 = arith.constant 13 : i32
        %add3A_1176 = arith.addi %mul3A_198, %add3A_1175 : i32
        %get3A_1177 = arith.index_cast %add3A_1176 : i32 to index
        %get3A_1178 = arith.constant 96 : index
        %get3A_1179 = tpu.vector_load %arg13[%get3A_1177, %get3A_1178] {strides = array<i32>} : memref<640x128xf32, #tpu.memory_space<vmem>>, vector<1x16xf32>,
        %get3A_1180 = vector.shape_cast %get3A_1179 : vector<1x16xf32> to vector<16xf32>
        %add3A_1181 = arith.addf %add3A_1174, %get3A_1180 : vector<16xf32>
        %add3A_1182 = arith.constant 14 : i32
        %add3A_1183 = arith.addi %mul3A_198, %add3A_1182 : i32
        %get3A_1184 = arith.index_cast %add3A_1183 : i32 to index
        %get3A_1185 = arith.constant 96 : index
        %get3A_1186 = tpu.vector_load %arg13[%get3A_1184, %get3A_1185] {strides = array<i32>} : memref<640x128xf32, #tpu.memory_space<vmem>>, vector<1x16xf32>,
        %get3A_1187 = vector.shape_cast %get3A_1186 : vector<1x16xf32> to vector<16xf32>
        %add3A_1188 = arith.addf %add3A_1181, %get3A_1187 : vector<16xf32>
        %add3A_1189 = arith.constant 15 : i32
        %add3A_1190 = arith.addi %mul3A_198, %add3A_1189 : i32
        %get3A_1191 = arith.index_cast %add3A_1190 : i32 to index
        %get3A_1192 = arith.constant 96 : index
        %get3A_1193 = tpu.vector_load %arg13[%get3A_1191, %get3A_1192] {strides = array<i32>} : memref<640x128xf32, #tpu.memory_space<vmem>>, vector<1x16xf32>,
        %get3A_1194 = vector.shape_cast %get3A_1193 : vector<1x16xf32> to vector<16xf32>
        %add3A_1195 = arith.addf %add3A_1188, %get3A_1194 : vector<16xf32>
        %add3A_1196 = arith.constant 16 : i32
        %add3A_1197 = arith.addi %mul3A_198, %add3A_1196 : i32
        %get3A_1198 = arith.index_cast %add3A_1197 : i32 to index
        %get3A_1199 = arith.constant 96 : index
        %get3A_1200 = tpu.vector_load %arg13[%get3A_1198, %get3A_1199] {strides = array<i32>} : memref<640x128xf32, #tpu.memory_space<vmem>>, vector<1x16xf32>,
        %get3A_1201 = vector.shape_cast %get3A_1200 : vector<1x16xf32> to vector<16xf32>
        %add3A_1202 = arith.addf %add3A_1195, %get3A_1201 : vector<16xf32>
        %add3A_1203 = arith.constant 17 : i32
        %add3A_1204 = arith.addi %mul3A_198, %add3A_1203 : i32
        %get3A_1205 = arith.index_cast %add3A_1204 : i32 to index
        %get3A_1206 = arith.constant 96 : index
        %get3A_1207 = tpu.vector_load %arg13[%get3A_1205, %get3A_1206] {strides = array<i32>} : memref<640x128xf32, #tpu.memory_space<vmem>>, vector<1x16xf32>,
        %get3A_1208 = vector.shape_cast %get3A_1207 : vector<1x16xf32> to vector<16xf32>
        %add3A_1209 = arith.addf %add3A_1202, %get3A_1208 : vector<16xf32>
        %add3A_1210 = arith.constant 18 : i32
        %add3A_1211 = arith.addi %mul3A_198, %add3A_1210 : i32
        %get3A_1212 = arith.index_cast %add3A_1211 : i32 to index
        %get3A_1213 = arith.constant 96 : index
        %get3A_1214 = tpu.vector_load %arg13[%get3A_1212, %get3A_1213] {strides = array<i32>} : memref<640x128xf32, #tpu.memory_space<vmem>>, vector<1x16xf32>,
        %get3A_1215 = vector.shape_cast %get3A_1214 : vector<1x16xf32> to vector<16xf32>
        %add3A_1216 = arith.addf %add3A_1209, %get3A_1215 : vector<16xf32>
        %add3A_1217 = arith.constant 19 : i32
        %add3A_1218 = arith.addi %mul3A_198, %add3A_1217 : i32
        %get3A_1219 = arith.index_cast %add3A_1218 : i32 to index
        %get3A_1220 = arith.constant 96 : index
        %get3A_1221 = tpu.vector_load %arg13[%get3A_1219, %get3A_1220] {strides = array<i32>} : memref<640x128xf32, #tpu.memory_space<vmem>>, vector<1x16xf32>,
        %get3A_1222 = vector.shape_cast %get3A_1221 : vector<1x16xf32> to vector<16xf32>
        %add3A_1223 = arith.addf %add3A_1216, %get3A_1222 : vector<16xf32>
        %mul3A_1224 = arith.constant 0.0721347556 : f32
        %mul3A_1225 = vector.broadcast %mul3A_1224 : f32 to vector<16xf32>
        %mul3A_1226 = arith.mulf %add3A_1223, %mul3A_1225 : vector<16xf32>
        %mul3A_1227 = arith.constant 128 : i32
        %mul3A_1228 = arith.muli %scan3A_195, %mul3A_1227 : i32
        %add3A_1229 = arith.constant 96 : i32
        %add3A_1230 = arith.addi %mul3A_1228, %add3A_1229 : i32
        %swap3A_1231 = arith.index_cast %add3A_1230 : i32 to index
        %swap3A_1232 = tpu.vector_load %arg14[%swap3A_1231] {strides = array<i32>} : memref<4096xf32, #tpu.memory_space<vmem>>, vector<16xf32>,
        %swap3A_1233 = vector.shape_cast %swap3A_1232 : vector<16xf32> to vector<16xf32>
        %swap3A_1234 = vector.shape_cast %mul3A_1226 : vector<16xf32> to vector<16xf32>
        tpu.vector_store %arg14[%swap3A_1231], %swap3A_1234 {strides = array<i32>} : memref<4096xf32, #tpu.memory_space<vmem>>, vector<16xf32>,
        %get3A_1235 = arith.index_cast %mul3A_198 : i32 to index
        %get3A_1236 = arith.constant 112 : index
        %get3A_1237 = tpu.vector_load %arg13[%get3A_1235, %get3A_1236] {strides = array<i32>} : memref<640x128xf32, #tpu.memory_space<vmem>>, vector<1x16xf32>,
        %get3A_1238 = vector.shape_cast %get3A_1237 : vector<1x16xf32> to vector<16xf32>
        %add3A_1239 = arith.constant 1 : i32
        %add3A_1240 = arith.addi %mul3A_198, %add3A_1239 : i32
        %get3A_1241 = arith.index_cast %add3A_1240 : i32 to index
        %get3A_1242 = arith.constant 112 : index
        %get3A_1243 = tpu.vector_load %arg13[%get3A_1241, %get3A_1242] {strides = array<i32>} : memref<640x128xf32, #tpu.memory_space<vmem>>, vector<1x16xf32>,
        %get3A_1244 = vector.shape_cast %get3A_1243 : vector<1x16xf32> to vector<16xf32>
        %add3A_1245 = arith.addf %get3A_1238, %get3A_1244 : vector<16xf32>
        %add3A_1246 = arith.constant 2 : i32
        %add3A_1247 = arith.addi %mul3A_198, %add3A_1246 : i32
        %get3A_1248 = arith.index_cast %add3A_1247 : i32 to index
        %get3A_1249 = arith.constant 112 : index
        %get3A_1250 = tpu.vector_load %arg13[%get3A_1248, %get3A_1249] {strides = array<i32>} : memref<640x128xf32, #tpu.memory_space<vmem>>, vector<1x16xf32>,
        %get3A_1251 = vector.shape_cast %get3A_1250 : vector<1x16xf32> to vector<16xf32>
        %add3A_1252 = arith.addf %add3A_1245, %get3A_1251 : vector<16xf32>
        %add3A_1253 = arith.constant 3 : i32
        %add3A_1254 = arith.addi %mul3A_198, %add3A_1253 : i32
        %get3A_1255 = arith.index_cast %add3A_1254 : i32 to index
        %get3A_1256 = arith.constant 112 : index
        %get3A_1257 = tpu.vector_load %arg13[%get3A_1255, %get3A_1256] {strides = array<i32>} : memref<640x128xf32, #tpu.memory_space<vmem>>, vector<1x16xf32>,
        %get3A_1258 = vector.shape_cast %get3A_1257 : vector<1x16xf32> to vector<16xf32>
        %add3A_1259 = arith.addf %add3A_1252, %get3A_1258 : vector<16xf32>
        %add3A_1260 = arith.constant 4 : i32
        %add3A_1261 = arith.addi %mul3A_198, %add3A_1260 : i32
        %get3A_1262 = arith.index_cast %add3A_1261 : i32 to index
        %get3A_1263 = arith.constant 112 : index
        %get3A_1264 = tpu.vector_load %arg13[%get3A_1262, %get3A_1263] {strides = array<i32>} : memref<640x128xf32, #tpu.memory_space<vmem>>, vector<1x16xf32>,
        %get3A_1265 = vector.shape_cast %get3A_1264 : vector<1x16xf32> to vector<16xf32>
        %add3A_1266 = arith.addf %add3A_1259, %get3A_1265 : vector<16xf32>
        %add3A_1267 = arith.constant 5 : i32
        %add3A_1268 = arith.addi %mul3A_198, %add3A_1267 : i32
        %get3A_1269 = arith.index_cast %add3A_1268 : i32 to index
        %get3A_1270 = arith.constant 112 : index
        %get3A_1271 = tpu.vector_load %arg13[%get3A_1269, %get3A_1270] {strides = array<i32>} : memref<640x128xf32, #tpu.memory_space<vmem>>, vector<1x16xf32>,
        %get3A_1272 = vector.shape_cast %get3A_1271 : vector<1x16xf32> to vector<16xf32>
        %add3A_1273 = arith.addf %add3A_1266, %get3A_1272 : vector<16xf32>
        %add3A_1274 = arith.constant 6 : i32
        %add3A_1275 = arith.addi %mul3A_198, %add3A_1274 : i32
        %get3A_1276 = arith.index_cast %add3A_1275 : i32 to index
        %get3A_1277 = arith.constant 112 : index
        %get3A_1278 = tpu.vector_load %arg13[%get3A_1276, %get3A_1277] {strides = array<i32>} : memref<640x128xf32, #tpu.memory_space<vmem>>, vector<1x16xf32>,
        %get3A_1279 = vector.shape_cast %get3A_1278 : vector<1x16xf32> to vector<16xf32>
        %add3A_1280 = arith.addf %add3A_1273, %get3A_1279 : vector<16xf32>
        %add3A_1281 = arith.constant 7 : i32
        %add3A_1282 = arith.addi %mul3A_198, %add3A_1281 : i32
        %get3A_1283 = arith.index_cast %add3A_1282 : i32 to index
        %get3A_1284 = arith.constant 112 : index
        %get3A_1285 = tpu.vector_load %arg13[%get3A_1283, %get3A_1284] {strides = array<i32>} : memref<640x128xf32, #tpu.memory_space<vmem>>, vector<1x16xf32>,
        %get3A_1286 = vector.shape_cast %get3A_1285 : vector<1x16xf32> to vector<16xf32>
        %add3A_1287 = arith.addf %add3A_1280, %get3A_1286 : vector<16xf32>
        %add3A_1288 = arith.constant 8 : i32
        %add3A_1289 = arith.addi %mul3A_198, %add3A_1288 : i32
        %get3A_1290 = arith.index_cast %add3A_1289 : i32 to index
        %get3A_1291 = arith.constant 112 : index
        %get3A_1292 = tpu.vector_load %arg13[%get3A_1290, %get3A_1291] {strides = array<i32>} : memref<640x128xf32, #tpu.memory_space<vmem>>, vector<1x16xf32>,
        %get3A_1293 = vector.shape_cast %get3A_1292 : vector<1x16xf32> to vector<16xf32>
        %add3A_1294 = arith.addf %add3A_1287, %get3A_1293 : vector<16xf32>
        %add3A_1295 = arith.constant 9 : i32
        %add3A_1296 = arith.addi %mul3A_198, %add3A_1295 : i32
        %get3A_1297 = arith.index_cast %add3A_1296 : i32 to index
        %get3A_1298 = arith.constant 112 : index
        %get3A_1299 = tpu.vector_load %arg13[%get3A_1297, %get3A_1298] {strides = array<i32>} : memref<640x128xf32, #tpu.memory_space<vmem>>, vector<1x16xf32>,
        %get3A_1300 = vector.shape_cast %get3A_1299 : vector<1x16xf32> to vector<16xf32>
        %add3A_1301 = arith.addf %add3A_1294, %get3A_1300 : vector<16xf32>
        %add3A_1302 = arith.constant 10 : i32
        %add3A_1303 = arith.addi %mul3A_198, %add3A_1302 : i32
        %get3A_1304 = arith.index_cast %add3A_1303 : i32 to index
        %get3A_1305 = arith.constant 112 : index
        %get3A_1306 = tpu.vector_load %arg13[%get3A_1304, %get3A_1305] {strides = array<i32>} : memref<640x128xf32, #tpu.memory_space<vmem>>, vector<1x16xf32>,
        %get3A_1307 = vector.shape_cast %get3A_1306 : vector<1x16xf32> to vector<16xf32>
        %add3A_1308 = arith.addf %add3A_1301, %get3A_1307 : vector<16xf32>
        %add3A_1309 = arith.constant 11 : i32
        %add3A_1310 = arith.addi %mul3A_198, %add3A_1309 : i32
        %get3A_1311 = arith.index_cast %add3A_1310 : i32 to index
        %get3A_1312 = arith.constant 112 : index
        %get3A_1313 = tpu.vector_load %arg13[%get3A_1311, %get3A_1312] {strides = array<i32>} : memref<640x128xf32, #tpu.memory_space<vmem>>, vector<1x16xf32>,
        %get3A_1314 = vector.shape_cast %get3A_1313 : vector<1x16xf32> to vector<16xf32>
        %add3A_1315 = arith.addf %add3A_1308, %get3A_1314 : vector<16xf32>
        %add3A_1316 = arith.constant 12 : i32
        %add3A_1317 = arith.addi %mul3A_198, %add3A_1316 : i32
        %get3A_1318 = arith.index_cast %add3A_1317 : i32 to index
        %get3A_1319 = arith.constant 112 : index
        %get3A_1320 = tpu.vector_load %arg13[%get3A_1318, %get3A_1319] {strides = array<i32>} : memref<640x128xf32, #tpu.memory_space<vmem>>, vector<1x16xf32>,
        %get3A_1321 = vector.shape_cast %get3A_1320 : vector<1x16xf32> to vector<16xf32>
        %add3A_1322 = arith.addf %add3A_1315, %get3A_1321 : vector<16xf32>
        %add3A_1323 = arith.constant 13 : i32
        %add3A_1324 = arith.addi %mul3A_198, %add3A_1323 : i32
        %get3A_1325 = arith.index_cast %add3A_1324 : i32 to index
        %get3A_1326 = arith.constant 112 : index
        %get3A_1327 = tpu.vector_load %arg13[%get3A_1325, %get3A_1326] {strides = array<i32>} : memref<640x128xf32, #tpu.memory_space<vmem>>, vector<1x16xf32>,
        %get3A_1328 = vector.shape_cast %get3A_1327 : vector<1x16xf32> to vector<16xf32>
        %add3A_1329 = arith.addf %add3A_1322, %get3A_1328 : vector<16xf32>
        %add3A_1330 = arith.constant 14 : i32
        %add3A_1331 = arith.addi %mul3A_198, %add3A_1330 : i32
        %get3A_1332 = arith.index_cast %add3A_1331 : i32 to index
        %get3A_1333 = arith.constant 112 : index
        %get3A_1334 = tpu.vector_load %arg13[%get3A_1332, %get3A_1333] {strides = array<i32>} : memref<640x128xf32, #tpu.memory_space<vmem>>, vector<1x16xf32>,
        %get3A_1335 = vector.shape_cast %get3A_1334 : vector<1x16xf32> to vector<16xf32>
        %add3A_1336 = arith.addf %add3A_1329, %get3A_1335 : vector<16xf32>
        %add3A_1337 = arith.constant 15 : i32
        %add3A_1338 = arith.addi %mul3A_198, %add3A_1337 : i32
        %get3A_1339 = arith.index_cast %add3A_1338 : i32 to index
        %get3A_1340 = arith.constant 112 : index
        %get3A_1341 = tpu.vector_load %arg13[%get3A_1339, %get3A_1340] {strides = array<i32>} : memref<640x128xf32, #tpu.memory_space<vmem>>, vector<1x16xf32>,
        %get3A_1342 = vector.shape_cast %get3A_1341 : vector<1x16xf32> to vector<16xf32>
        %add3A_1343 = arith.addf %add3A_1336, %get3A_1342 : vector<16xf32>
        %add3A_1344 = arith.constant 16 : i32
        %add3A_1345 = arith.addi %mul3A_198, %add3A_1344 : i32
        %get3A_1346 = arith.index_cast %add3A_1345 : i32 to index
        %get3A_1347 = arith.constant 112 : index
        %get3A_1348 = tpu.vector_load %arg13[%get3A_1346, %get3A_1347] {strides = array<i32>} : memref<640x128xf32, #tpu.memory_space<vmem>>, vector<1x16xf32>,
        %get3A_1349 = vector.shape_cast %get3A_1348 : vector<1x16xf32> to vector<16xf32>
        %add3A_1350 = arith.addf %add3A_1343, %get3A_1349 : vector<16xf32>
        %add3A_1351 = arith.constant 17 : i32
        %add3A_1352 = arith.addi %mul3A_198, %add3A_1351 : i32
        %get3A_1353 = arith.index_cast %add3A_1352 : i32 to index
        %get3A_1354 = arith.constant 112 : index
        %get3A_1355 = tpu.vector_load %arg13[%get3A_1353, %get3A_1354] {strides = array<i32>} : memref<640x128xf32, #tpu.memory_space<vmem>>, vector<1x16xf32>,
        %get3A_1356 = vector.shape_cast %get3A_1355 : vector<1x16xf32> to vector<16xf32>
        %add3A_1357 = arith.addf %add3A_1350, %get3A_1356 : vector<16xf32>
        %add3A_1358 = arith.constant 18 : i32
        %add3A_1359 = arith.addi %mul3A_198, %add3A_1358 : i32
        %get3A_1360 = arith.index_cast %add3A_1359 : i32 to index
        %get3A_1361 = arith.constant 112 : index
        %get3A_1362 = tpu.vector_load %arg13[%get3A_1360, %get3A_1361] {strides = array<i32>} : memref<640x128xf32, #tpu.memory_space<vmem>>, vector<1x16xf32>,
        %get3A_1363 = vector.shape_cast %get3A_1362 : vector<1x16xf32> to vector<16xf32>
        %add3A_1364 = arith.addf %add3A_1357, %get3A_1363 : vector<16xf32>
        %add3A_1365 = arith.constant 19 : i32
        %add3A_1366 = arith.addi %mul3A_198, %add3A_1365 : i32
        %get3A_1367 = arith.index_cast %add3A_1366 : i32 to index
        %get3A_1368 = arith.constant 112 : index
        %get3A_1369 = tpu.vector_load %arg13[%get3A_1367, %get3A_1368] {strides = array<i32>} : memref<640x128xf32, #tpu.memory_space<vmem>>, vector<1x16xf32>,
        %get3A_1370 = vector.shape_cast %get3A_1369 : vector<1x16xf32> to vector<16xf32>
        %add3A_1371 = arith.addf %add3A_1364, %get3A_1370 : vector<16xf32>
        %mul3A_1372 = arith.constant 0.0721347556 : f32
        %mul3A_1373 = vector.broadcast %mul3A_1372 : f32 to vector<16xf32>
        %mul3A_1374 = arith.mulf %add3A_1371, %mul3A_1373 : vector<16xf32>
        %mul3A_1375 = arith.constant 128 : i32
        %mul3A_1376 = arith.muli %scan3A_195, %mul3A_1375 : i32
        %add3A_1377 = arith.constant 112 : i32
        %add3A_1378 = arith.addi %mul3A_1376, %add3A_1377 : i32
        %swap3A_1379 = arith.index_cast %add3A_1378 : i32 to index
        %swap3A_1380 = tpu.vector_load %arg14[%swap3A_1379] {strides = array<i32>} : memref<4096xf32, #tpu.memory_space<vmem>>, vector<16xf32>,
        %swap3A_1381 = vector.shape_cast %swap3A_1380 : vector<16xf32> to vector<16xf32>
        %swap3A_1382 = vector.shape_cast %mul3A_1374 : vector<16xf32> to vector<16xf32>
        tpu.vector_store %arg14[%swap3A_1379], %swap3A_1382 {strides = array<i32>} : memref<4096xf32, #tpu.memory_space<vmem>>, vector<16xf32>,
        %scan3A_1383 = arith.constant 0 : i32
        scf.yield %scan3A_1383 : i32
      }
      %scan3A_188 = arith.constant 32 : i32
      %mul3A_189 = arith.constant 32 : i32
      %mul3A_190 = arith.muli %scan3A_98, %mul3A_189 : i32
      %add3A_191 = arith.addi %mul3A_2, %mul3A_190 : i32
      %mul3A_192 = arith.constant 128 : i32
      %mul3A_193 = arith.muli %add3A_191, %mul3A_192 : i32
      "tpu.region"() ({
        %run_scoped3A = tpu.sem_alloc : memref<!tpu.dma_semaphore, #tpu.memory_space<semaphore_mem>>
        %dma_start3A_195 = tpu.memref_slice %arg7[%mul3A_193] : memref<524288xf32, #tpu.memory_space<hbm>> -> memref<4096xf32, #tpu.memory_space<hbm>>
        %dma_start3A_196 = tpu.memref_slice %arg7[%mul3A_193] : memref<524288xf32, #tpu.memory_space<hbm>> -> memref<4096xf32, #tpu.memory_space<hbm>>
        tpu.enqueue_dma source(%arg14 : memref<4096xf32, #tpu.memory_space<vmem>>) target(%dma_start3A_196 : memref<4096xf32, #tpu.memory_space<hbm>>) target_semaphore(%run_scoped3A : memref<!tpu.dma_semaphore, #tpu.memory_space<semaphore_mem>>)
        %dma_wait3A_197 = tpu.memref_slice %arg7[%mul3A_193] : memref<524288xf32, #tpu.memory_space<hbm>> -> memref<4096xf32, #tpu.memory_space<hbm>>
        %dma_wait3A_198 = tpu.memref_slice %arg7[%mul3A_193] : memref<524288xf32, #tpu.memory_space<hbm>> -> memref<4096xf32, #tpu.memory_space<hbm>>
        tpu.wait_dma2 semaphore(%run_scoped3A : memref<!tpu.dma_semaphore, #tpu.memory_space<semaphore_mem>>) src(%arg14 : memref<4096xf32, #tpu.memory_space<vmem>>) dst(%dma_wait3A_198 : memref<4096xf32, #tpu.memory_space<hbm>>)
        tpu.yield
      }) : () -> ()
      %scan3A_194 = arith.constant 0 : i32
      scf.yield %scan3A_194 : i32
    }
    %scan3A_92 = arith.constant 4 : i32
    %dma_wait3A = arith.constant 0 : i32
    %dma_wait3A_93 = arith.constant 0 : i32
    %dma_wait3A_94 = tpu.memref_slice %arg5[%dma_wait3A, %dma_wait3A_93] : memref<100000x128xf32, #tpu.memory_space<hbm>> -> memref<100000x128xf32, #tpu.memory_space<hbm>>
    tpu.wait_indirect_dma semaphore(%arg18 : memref<!tpu.dma_semaphore, #tpu.memory_space<semaphore_mem>>) src(%dma_wait3A_94 : memref<100000x128xf32, #tpu.memory_space<hbm>>) dst(%arg15 : memref<128x128xf32, #tpu.memory_space<vmem>>)
    %dma_wait3A_95 = arith.constant 0 : i32
    %dma_wait3A_96 = arith.constant 0 : i32
    %dma_wait3A_97 = tpu.memref_slice %arg6[%dma_wait3A_95, %dma_wait3A_96] : memref<782x128xf32, #tpu.memory_space<hbm>> -> memref<782x128xf32, #tpu.memory_space<hbm>>
    tpu.wait_indirect_dma semaphore(%arg18 : memref<!tpu.dma_semaphore, #tpu.memory_space<semaphore_mem>>) src(%dma_wait3A_97 : memref<782x128xf32, #tpu.memory_space<hbm>>) dst(%arg16 : memref<128x128xf32, #tpu.memory_space<vmem>>)
    "tpu.region"() ({
      %run_scoped3A = tpu.sem_alloc : memref<!tpu.dma_semaphore, #tpu.memory_space<semaphore_mem>>
      %dma_start3A_98 = arith.constant 0 : i32
      %dma_start3A_99 = tpu.memref_slice %arg8[%mul3A_2, %dma_start3A_98] : memref<4096x128xf32, #tpu.memory_space<hbm>> -> memref<128x128xf32, #tpu.memory_space<hbm>>
      %dma_start3A_100 = arith.constant 0 : i32
      %dma_start3A_101 = tpu.memref_slice %arg8[%mul3A_2, %dma_start3A_100] : memref<4096x128xf32, #tpu.memory_space<hbm>> -> memref<128x128xf32, #tpu.memory_space<hbm>>
      tpu.enqueue_dma source(%arg15 : memref<128x128xf32, #tpu.memory_space<vmem>>) target(%dma_start3A_101 : memref<128x128xf32, #tpu.memory_space<hbm>>) target_semaphore(%run_scoped3A : memref<!tpu.dma_semaphore, #tpu.memory_space<semaphore_mem>>)
      %dma_wait3A_102 = arith.constant 0 : i32
      %dma_wait3A_103 = tpu.memref_slice %arg8[%mul3A_2, %dma_wait3A_102] : memref<4096x128xf32, #tpu.memory_space<hbm>> -> memref<128x128xf32, #tpu.memory_space<hbm>>
      %dma_wait3A_104 = arith.constant 0 : i32
      %dma_wait3A_105 = tpu.memref_slice %arg8[%mul3A_2, %dma_wait3A_104] : memref<4096x128xf32, #tpu.memory_space<hbm>> -> memref<128x128xf32, #tpu.memory_space<hbm>>
      tpu.wait_dma2 semaphore(%run_scoped3A : memref<!tpu.dma_semaphore, #tpu.memory_space<semaphore_mem>>) src(%arg15 : memref<128x128xf32, #tpu.memory_space<vmem>>) dst(%dma_wait3A_105 : memref<128x128xf32, #tpu.memory_space<hbm>>)
      tpu.yield
    }) : () -> ()
    "tpu.region"() ({
      %run_scoped3A = tpu.sem_alloc : memref<!tpu.dma_semaphore, #tpu.memory_space<semaphore_mem>>
      %dma_start3A_98 = arith.constant 0 : i32
      %dma_start3A_99 = tpu.memref_slice %arg9[%mul3A_2, %dma_start3A_98] : memref<4096x128xf32, #tpu.memory_space<hbm>> -> memref<128x128xf32, #tpu.memory_space<hbm>>
      %dma_start3A_100 = arith.constant 0 : i32
      %dma_start3A_101 = tpu.memref_slice %arg9[%mul3A_2, %dma_start3A_100] : memref<4096x128xf32, #tpu.memory_space<hbm>> -> memref<128x128xf32, #tpu.memory_space<hbm>>
      tpu.enqueue_dma source(%arg16 : memref<128x128xf32, #tpu.memory_space<vmem>>) target(%dma_start3A_101 : memref<128x128xf32, #tpu.memory_space<hbm>>) target_semaphore(%run_scoped3A : memref<!tpu.dma_semaphore, #tpu.memory_space<semaphore_mem>>)
      %dma_wait3A_102 = arith.constant 0 : i32
      %dma_wait3A_103 = tpu.memref_slice %arg9[%mul3A_2, %dma_wait3A_102] : memref<4096x128xf32, #tpu.memory_space<hbm>> -> memref<128x128xf32, #tpu.memory_space<hbm>>
      %dma_wait3A_104 = arith.constant 0 : i32
      %dma_wait3A_105 = tpu.memref_slice %arg9[%mul3A_2, %dma_wait3A_104] : memref<4096x128xf32, #tpu.memory_space<hbm>> -> memref<128x128xf32, #tpu.memory_space<hbm>>
      tpu.wait_dma2 semaphore(%run_scoped3A : memref<!tpu.dma_semaphore, #tpu.memory_space<semaphore_mem>>) src(%arg16 : memref<128x128xf32, #tpu.memory_space<vmem>>) dst(%dma_wait3A_105 : memref<128x128xf32, #tpu.memory_space<hbm>>)
      tpu.yield
    }) : () -> ()
    return
  }
}

module attributes {stable_mosaic.version = 14 : i64} {
  func.func @_scan_body(%arg0: i32, %arg1: memref<2048x128xbf16, #tpu.memory_space<vmem>>, %arg2: memref<1x2048xf32, #tpu.memory_space<vmem>>, %arg3: memref<1x4xf32, #tpu.memory_space<vmem>>, %arg4: memref<1x4xf32, #tpu.memory_space<vmem>>) attributes {dimension_semantics = [#tpu.dimension_semantics<arbitrary>], iteration_bounds = array<i64: 49>, scalar_prefetch = 0 : i64, scratch_operands = 1 : i64, tpu.core_type = #tpu.core_type<tc>, window_params = [{transform_indices = @transform_0, window_bounds = array<i64: 2048, 128>}, {transform_indices = @transform_1, window_bounds = array<i64: 1, 2048>}, {pipeline_mode = #tpu.pipeline_mode<synchronous>, transform_indices = @transform_2, window_bounds = array<i64: 1, 4>}]} {
    %eq3A = arith.constant 0 : i32
    %eq3A_0 = arith.cmpi eq, %arg0, %eq3A : i32
    %convert_element_type3A = arith.extui %eq3A_0 : i1 to i32
    %cond3A = arith.constant 0 : i32
    %cond3A_1 = arith.cmpi ne, %convert_element_type3A, %cond3A : i32
    scf.if %cond3A_1 {
      %broadcast_in_dim3A_41 = arith.constant -3.000000e+38 : f32
      %broadcast_in_dim3A_42 = vector.broadcast %broadcast_in_dim3A_41 : f32 to vector<1x2xf32>
      %broadcast_in_dim3A_43 = arith.constant 3.000000e+38 : f32
      %broadcast_in_dim3A_44 = vector.broadcast %broadcast_in_dim3A_43 : f32 to vector<1x2xf32>
      %concatenate3A_45 = tpu.concatenate %broadcast_in_dim3A_42, %broadcast_in_dim3A_44 in 1 : vector<1x2xf32>, vector<1x2xf32> -> vector<1x4xf32>
      %swap3A_46 = arith.constant 0 : index
      %swap3A_47 = arith.constant 0 : index
      %swap3A_48 = vector.load %arg4[%swap3A_46, %swap3A_47] : memref<1x4xf32, #tpu.memory_space<vmem>>, vector<1x4xf32>
      tpu.vector_store %arg4[%swap3A_46, %swap3A_47], %concatenate3A_45 {strides = array<i32>} : memref<1x4xf32, #tpu.memory_space<vmem>>, vector<1x4xf32>,
    } else {
    }
    %get3A = arith.constant 0 : index
    %get3A_2 = arith.constant 0 : index
    %get3A_3 = vector.load %arg1[%get3A, %get3A_2] : memref<2048x128xbf16, #tpu.memory_space<vmem>>, vector<2048x128xbf16>
    %convert_element_type3A_4 = arith.extf %get3A_3 : vector<2048x128xbf16> to vector<2048x128xf32>
    %mul3A = arith.mulf %convert_element_type3A_4, %convert_element_type3A_4 : vector<2048x128xf32>
    %reduce_sum3A = arith.constant dense<0.000000e+00> : vector<2048xf32>
    %reduce_sum3A_5 = vector.multi_reduction <add>, %mul3A, %reduce_sum3A [1] : vector<2048x128xf32> to vector<2048xf32>
    %broadcast_in_dim3A = vector.shape_cast %reduce_sum3A_5 : vector<2048xf32> to vector<2048x1xf32>
    %reduce_max3A = vector.shape_cast %broadcast_in_dim3A : vector<2048x1xf32> to vector<1x2048x1xf32>
    %reduce_max3A_6 = arith.constant dense<0xFF800000> : vector<1xf32>
    %reduce_max3A_7 = vector.multi_reduction <maximumf>, %reduce_max3A, %reduce_max3A_6 [1, 2] : vector<1x2048x1xf32> to vector<1xf32>
    %reduce_max3A_8 = vector.shape_cast %reduce_max3A_7 : vector<1xf32> to vector<1x1x1xf32>
    %reduce_max3A_9 = vector.extract %reduce_max3A_8[0, 0, 0] : f32 from vector<1x1x1xf32>
    %reshape3A = vector.broadcast %reduce_max3A_9 : f32 to vector<1x1xf32>
    %get3A_10 = arith.constant 0 : index
    %get3A_11 = arith.constant 0 : index
    %get3A_12 = vector.load %arg2[%get3A_10, %get3A_11] : memref<1x2048xf32, #tpu.memory_space<vmem>>, vector<1x2048xf32>
    %reduce_max3A_13 = vector.shape_cast %get3A_12 : vector<1x2048xf32> to vector<1x1x2048xf32>
    %reduce_max3A_14 = arith.constant dense<0xFF800000> : vector<1xf32>
    %reduce_max3A_15 = vector.multi_reduction <maximumf>, %reduce_max3A_13, %reduce_max3A_14 [1, 2] : vector<1x1x2048xf32> to vector<1xf32>
    %reduce_max3A_16 = vector.shape_cast %reduce_max3A_15 : vector<1xf32> to vector<1x1x1xf32>
    %reduce_max3A_17 = vector.extract %reduce_max3A_16[0, 0, 0] : f32 from vector<1x1x1xf32>
    %reshape3A_18 = vector.broadcast %reduce_max3A_17 : f32 to vector<1x1xf32>
    %get3A_19 = arith.constant 0 : index
    %get3A_20 = arith.constant 0 : index
    %get3A_21 = vector.load %arg2[%get3A_19, %get3A_20] : memref<1x2048xf32, #tpu.memory_space<vmem>>, vector<1x2048xf32>
    %reduce_min3A = vector.shape_cast %get3A_21 : vector<1x2048xf32> to vector<1x1x2048xf32>
    %reduce_min3A_22 = arith.constant dense<0x7F800000> : vector<1xf32>
    %reduce_min3A_23 = vector.multi_reduction <minimumf>, %reduce_min3A, %reduce_min3A_22 [1, 2] : vector<1x1x2048xf32> to vector<1xf32>
    %reduce_min3A_24 = vector.shape_cast %reduce_min3A_23 : vector<1xf32> to vector<1x1x1xf32>
    %reduce_min3A_25 = vector.extract %reduce_min3A_24[0, 0, 0] : f32 from vector<1x1x1xf32>
    %reshape3A_26 = vector.broadcast %reduce_min3A_25 : f32 to vector<1x1xf32>
    %get3A_27 = arith.constant 0 : index
    %get3A_28 = arith.constant 0 : index
    %get3A_29 = vector.load %arg4[%get3A_27, %get3A_28] : memref<1x4xf32, #tpu.memory_space<vmem>>, vector<1x4xf32>
    %slice3A = vector.extract_strided_slice %get3A_29 {offsets = [0, 0], sizes = [1, 1], strides = [1, 1]} : vector<1x4xf32> to vector<1x1xf32>
    %max3A = arith.maximumf %slice3A, %reshape3A : vector<1x1xf32>
    %slice3A_30 = vector.extract_strided_slice %get3A_29 {offsets = [0, 1], sizes = [1, 1], strides = [1, 1]} : vector<1x4xf32> to vector<1x1xf32>
    %max3A_31 = arith.maximumf %slice3A_30, %reshape3A_18 : vector<1x1xf32>
    %slice3A_32 = vector.extract_strided_slice %get3A_29 {offsets = [0, 2], sizes = [1, 1], strides = [1, 1]} : vector<1x4xf32> to vector<1x1xf32>
    %min3A = arith.minimumf %slice3A_32, %reshape3A_26 : vector<1x1xf32>
    %slice3A_33 = vector.extract_strided_slice %get3A_29 {offsets = [0, 3], sizes = [1, 1], strides = [1, 1]} : vector<1x4xf32> to vector<1x1xf32>
    %concatenate3A = tpu.concatenate %max3A, %max3A_31, %min3A, %slice3A_33 in 1 : vector<1x1xf32>, vector<1x1xf32>, vector<1x1xf32>, vector<1x1xf32> -> vector<1x4xf32>
    %swap3A = arith.constant 0 : index
    %swap3A_34 = arith.constant 0 : index
    %swap3A_35 = vector.load %arg4[%swap3A, %swap3A_34] : memref<1x4xf32, #tpu.memory_space<vmem>>, vector<1x4xf32>
    tpu.vector_store %arg4[%swap3A, %swap3A_34], %concatenate3A {strides = array<i32>} : memref<1x4xf32, #tpu.memory_space<vmem>>, vector<1x4xf32>,
    %eq3A_36 = arith.constant 48 : i32
    %eq3A_37 = arith.cmpi eq, %arg0, %eq3A_36 : i32
    %convert_element_type3A_38 = arith.extui %eq3A_37 : i1 to i32
    %cond3A_39 = arith.constant 0 : i32
    %cond3A_40 = arith.cmpi ne, %convert_element_type3A_38, %cond3A_39 : i32
    scf.if %cond3A_40 {
      %get3A_41 = arith.constant 0 : index
      %get3A_42 = arith.constant 0 : index
      %get3A_43 = vector.load %arg4[%get3A_41, %get3A_42] : memref<1x4xf32, #tpu.memory_space<vmem>>, vector<1x4xf32>
      %slice3A_44 = vector.extract_strided_slice %get3A_43 {offsets = [0, 0], sizes = [1, 1], strides = [1, 1]} : vector<1x4xf32> to vector<1x1xf32>
      %sqrt3A = math.sqrt %slice3A_44 : vector<1x1xf32>
      %mul3A_45 = arith.constant 1.050000e+00 : f32
      %mul3A_46 = vector.broadcast %mul3A_45 : f32 to vector<1x1xf32>
      %mul3A_47 = arith.mulf %sqrt3A, %mul3A_46 : vector<1x1xf32>
      %slice3A_48 = vector.extract_strided_slice %get3A_43 {offsets = [0, 1], sizes = [1, 1], strides = [1, 1]} : vector<1x4xf32> to vector<1x1xf32>
      %slice3A_49 = vector.extract_strided_slice %get3A_43 {offsets = [0, 2], sizes = [1, 1], strides = [1, 1]} : vector<1x4xf32> to vector<1x1xf32>
      %slice3A_50 = vector.extract_strided_slice %get3A_43 {offsets = [0, 3], sizes = [1, 1], strides = [1, 1]} : vector<1x4xf32> to vector<1x1xf32>
      %concatenate3A_51 = tpu.concatenate %mul3A_47, %slice3A_48, %slice3A_49, %slice3A_50 in 1 : vector<1x1xf32>, vector<1x1xf32>, vector<1x1xf32>, vector<1x1xf32> -> vector<1x4xf32>
      %swap3A_52 = arith.constant 0 : index
      %swap3A_53 = arith.constant 0 : index
      %swap3A_54 = vector.load %arg3[%swap3A_52, %swap3A_53] : memref<1x4xf32, #tpu.memory_space<vmem>>, vector<1x4xf32>
      tpu.vector_store %arg3[%swap3A_52, %swap3A_53], %concatenate3A_51 {strides = array<i32>} : memref<1x4xf32, #tpu.memory_space<vmem>>, vector<1x4xf32>,
    } else {
    }
    return
  }
  func.func @transform_0(%arg0: i32) -> (i32, i32) {
    %c0_i32 = arith.constant 0 : i32
    %c0_i32_0 = arith.constant 0 : i32
    return %arg0, %c0_i32 : i32, i32
  }
  func.func @transform_1(%arg0: i32) -> (i32, i32) {
    %c0_i32 = arith.constant 0 : i32
    %c0_i32_0 = arith.constant 0 : i32
    return %c0_i32, %arg0 : i32, i32
  }
  func.func @transform_2(%arg0: i32) -> (i32, i32) {
    %c0_i32 = arith.constant 0 : i32
    %c0_i32_0 = arith.constant 0 : i32
    %c0_i32_1 = arith.constant 0 : i32
    return %c0_i32, %c0_i32_0 : i32, i32
  }
}

module attributes {stable_mosaic.version = 14 : i64} {
  func.func @_norm_body(%arg0: memref<4096x128xbf16, #tpu.memory_space<vmem>>, %arg1: memref<1x4xf32, #tpu.memory_space<vmem>>, %arg2: memref<1x2xf32, #tpu.memory_space<vmem>>) attributes {dimension_semantics = [], scalar_prefetch = 0 : i64, scratch_operands = 0 : i64, tpu.core_type = #tpu.core_type<tc>} {
    %get3A = arith.constant 0 : index
    %get3A_0 = arith.constant 0 : index
    %get3A_1 = vector.load %arg0[%get3A, %get3A_0] : memref<4096x128xbf16, #tpu.memory_space<vmem>>, vector<4096x128xbf16>
    %convert_element_type3A = arith.extf %get3A_1 : vector<4096x128xbf16> to vector<4096x128xf32>
    %mul3A = arith.mulf %convert_element_type3A, %convert_element_type3A : vector<4096x128xf32>
    %reduce_sum3A = arith.constant dense<0.000000e+00> : vector<4096xf32>
    %reduce_sum3A_2 = vector.multi_reduction <add>, %mul3A, %reduce_sum3A [1] : vector<4096x128xf32> to vector<4096xf32>
    %broadcast_in_dim3A = vector.shape_cast %reduce_sum3A_2 : vector<4096xf32> to vector<4096x1xf32>
    %reduce_max3A = vector.shape_cast %broadcast_in_dim3A : vector<4096x1xf32> to vector<1x4096x1xf32>
    %reduce_max3A_3 = arith.constant dense<0xFF800000> : vector<1xf32>
    %reduce_max3A_4 = vector.multi_reduction <maximumf>, %reduce_max3A, %reduce_max3A_3 [1, 2] : vector<1x4096x1xf32> to vector<1xf32>
    %reduce_max3A_5 = vector.shape_cast %reduce_max3A_4 : vector<1xf32> to vector<1x1x1xf32>
    %reduce_max3A_6 = vector.extract %reduce_max3A_5[0, 0, 0] : f32 from vector<1x1x1xf32>
    %sqrt3A = math.sqrt %reduce_max3A_6 : f32
    %get3A_7 = arith.constant 0 : index
    %get3A_8 = arith.constant 0 : index
    %get3A_9 = vector.load %arg1[%get3A_7, %get3A_8] : memref<1x4xf32, #tpu.memory_space<vmem>>, vector<1x1xf32>
    %get3A_10 = vector.extract %get3A_9[0, 0] : f32 from vector<1x1xf32>
    %mul3A_11 = arith.mulf %sqrt3A, %get3A_10 : f32
    %get3A_12 = arith.constant 0 : index
    %get3A_13 = arith.constant 1 : index
    %get3A_14 = vector.load %arg1[%get3A_12, %get3A_13] : memref<1x4xf32, #tpu.memory_space<vmem>>, vector<1x1xf32>
    %get3A_15 = vector.extract %get3A_14[0, 0] : f32 from vector<1x1xf32>
    %add3A = arith.addf %mul3A_11, %get3A_15 : f32
    %sub3A = arith.constant 1.000000e+02 : f32
    %sub3A_16 = arith.subf %add3A, %sub3A : f32
    %max3A = arith.constant 0.000000e+00 : f32
    %max3A_17 = arith.maximumf %sub3A_16, %max3A : f32
    %eq3A = arith.constant 0.000000e+00 : f32
    %eq3A_18 = arith.cmpf oeq, %max3A_17, %eq3A : f32
    %get3A_19 = arith.constant 0 : index
    %get3A_20 = arith.constant 1 : index
    %get3A_21 = vector.load %arg1[%get3A_19, %get3A_20] : memref<1x4xf32, #tpu.memory_space<vmem>>, vector<1x1xf32>
    %get3A_22 = vector.extract %get3A_21[0, 0] : f32 from vector<1x1xf32>
    %eq3A_23 = arith.constant 0.000000e+00 : f32
    %eq3A_24 = arith.cmpf oeq, %get3A_22, %eq3A_23 : f32
    %and3A = arith.andi %eq3A_18, %eq3A_24 : i1
    %get3A_25 = arith.constant 0 : index
    %get3A_26 = arith.constant 2 : index
    %get3A_27 = vector.load %arg1[%get3A_25, %get3A_26] : memref<1x4xf32, #tpu.memory_space<vmem>>, vector<1x1xf32>
    %get3A_28 = vector.extract %get3A_27[0, 0] : f32 from vector<1x1xf32>
    %eq3A_29 = arith.constant 0.000000e+00 : f32
    %eq3A_30 = arith.cmpf oeq, %get3A_28, %eq3A_29 : f32
    %and3A_31 = arith.andi %and3A, %eq3A_30 : i1
    %jit3A = arith.constant 1.000000e+00 : f32
    %jit3A_32 = arith.constant 0.000000e+00 : f32
    %select_n3A = arith.select %and3A_31, %jit3A, %jit3A_32 : f32
    %reshape3A = vector.broadcast %max3A_17 : f32 to vector<1x1xf32>
    %reshape3A_33 = vector.broadcast %select_n3A : f32 to vector<1x1xf32>
    %concatenate3A = tpu.concatenate %reshape3A, %reshape3A_33 in 1 : vector<1x1xf32>, vector<1x1xf32> -> vector<1x2xf32>
    %swap3A = arith.constant 0 : index
    %swap3A_34 = arith.constant 0 : index
    %swap3A_35 = vector.load %arg2[%swap3A, %swap3A_34] : memref<1x2xf32, #tpu.memory_space<vmem>>, vector<1x2xf32>
    tpu.vector_store %arg2[%swap3A, %swap3A_34], %concatenate3A {strides = array<i32>} : memref<1x2xf32, #tpu.memory_space<vmem>>, vector<1x2xf32>,
    return
  }
}

module attributes {stable_mosaic.version = 14 : i64} {
  func.func @_tc_body(%arg0: i32, %arg1: memref<4096x128xbf16, #tpu.memory_space<vmem>>, %arg2: memref<2048x128xbf16, #tpu.memory_space<vmem>>, %arg3: memref<1x2048xf32, #tpu.memory_space<vmem>>, %arg4: memref<4096x128xf32, #tpu.memory_space<vmem>>, %arg5: memref<4096x128xf32, #tpu.memory_space<vmem>>, %arg6: memref<4096x1xi32, #tpu.memory_space<vmem>>, %arg7: memref<1x2xf32, #tpu.memory_space<vmem>>, %arg8: memref<1x1xf32, #tpu.memory_space<vmem>>, %arg9: memref<4096x128xf32, #tpu.memory_space<vmem>>) attributes {dimension_semantics = [#tpu.dimension_semantics<arbitrary>], iteration_bounds = array<i64: 49>, scalar_prefetch = 0 : i64, scratch_operands = 1 : i64, tpu.core_type = #tpu.core_type<tc>, window_params = [{pipeline_mode = #tpu.pipeline_mode<synchronous>, transform_indices = @transform_0, window_bounds = array<i64: 4096, 128>}, {transform_indices = @transform_1, window_bounds = array<i64: 2048, 128>}, {transform_indices = @transform_2, window_bounds = array<i64: 1, 2048>}, {pipeline_mode = #tpu.pipeline_mode<synchronous>, transform_indices = @transform_3, window_bounds = array<i64: 4096, 128>}, {pipeline_mode = #tpu.pipeline_mode<synchronous>, transform_indices = @transform_4, window_bounds = array<i64: 4096, 128>}, {pipeline_mode = #tpu.pipeline_mode<synchronous>, transform_indices = @transform_5, window_bounds = array<i64: 4096, 1>}, {pipeline_mode = #tpu.pipeline_mode<synchronous>, transform_indices = @transform_6, window_bounds = array<i64: 1, 2>}, {pipeline_mode = #tpu.pipeline_mode<synchronous>, transform_indices = @transform_7, window_bounds = array<i64: 1, 1>}]} {
    %eq3A = arith.constant 0 : i32
    %eq3A_0 = arith.cmpi eq, %arg0, %eq3A : i32
    %convert_element_type3A = arith.extui %eq3A_0 : i1 to i32
    %cond3A = arith.constant 0 : i32
    %cond3A_1 = arith.cmpi ne, %convert_element_type3A, %cond3A : i32
    scf.if %cond3A_1 {
      %broadcast_in_dim3A = arith.constant 0.000000e+00 : f32
      %broadcast_in_dim3A_53 = vector.broadcast %broadcast_in_dim3A : f32 to vector<4096x128xf32>
      %swap3A_54 = arith.constant 0 : index
      %swap3A_55 = arith.constant 0 : index
      %swap3A_56 = vector.load %arg9[%swap3A_54, %swap3A_55] : memref<4096x128xf32, #tpu.memory_space<vmem>>, vector<4096x128xf32>
      tpu.vector_store %arg9[%swap3A_54, %swap3A_55], %broadcast_in_dim3A_53 {strides = array<i32>} : memref<4096x128xf32, #tpu.memory_space<vmem>>, vector<4096x128xf32>,
    } else {
    }
    %get3A = arith.constant 0 : index
    %get3A_2 = arith.constant 0 : index
    %get3A_3 = vector.load %arg1[%get3A, %get3A_2] : memref<4096x128xbf16, #tpu.memory_space<vmem>>, vector<4096x128xbf16>
    %get3A_4 = arith.constant 0 : index
    %get3A_5 = arith.constant 0 : index
    %get3A_6 = vector.load %arg2[%get3A_4, %get3A_5] : memref<2048x128xbf16, #tpu.memory_space<vmem>>, vector<2048x128xbf16>
    %dot_general3A = arith.constant dense<0.000000e+00> : vector<4096x2048xf32>
    %dot_general3A_7 = tpu.matmul %get3A_3, %get3A_6, %dot_general3A {dimension_numbers = #tpu.dot_dimension_numbers<[1], [1], [0], [0], [0, 0, 1, 0], [], []>, transpose_lhs_hint = false} : vector<4096x128xbf16>, vector<2048x128xbf16>, vector<4096x2048xf32> -> vector<4096x2048xf32>
    %get3A_8 = arith.constant 0 : index
    %get3A_9 = arith.constant 0 : index
    %get3A_10 = vector.load %arg3[%get3A_8, %get3A_9] : memref<1x2048xf32, #tpu.memory_space<vmem>>, vector<1x2048xf32>
    %add3A = vector.broadcast %get3A_10 : vector<1x2048xf32> to vector<4096x2048xf32>
    %add3A_11 = arith.addf %dot_general3A_7, %add3A : vector<4096x2048xf32>
    %exp23A = math.exp2 %add3A_11 : vector<4096x2048xf32>
    %slice3A = vector.extract_strided_slice %exp23A {offsets = [0, 0], sizes = [4096, 128], strides = [1, 1]} : vector<4096x2048xf32> to vector<4096x128xf32>
    %slice3A_12 = vector.extract_strided_slice %exp23A {offsets = [0, 128], sizes = [4096, 128], strides = [1, 1]} : vector<4096x2048xf32> to vector<4096x128xf32>
    %add3A_13 = arith.addf %slice3A, %slice3A_12 : vector<4096x128xf32>
    %slice3A_14 = vector.extract_strided_slice %exp23A {offsets = [0, 256], sizes = [4096, 128], strides = [1, 1]} : vector<4096x2048xf32> to vector<4096x128xf32>
    %add3A_15 = arith.addf %add3A_13, %slice3A_14 : vector<4096x128xf32>
    %slice3A_16 = vector.extract_strided_slice %exp23A {offsets = [0, 384], sizes = [4096, 128], strides = [1, 1]} : vector<4096x2048xf32> to vector<4096x128xf32>
    %add3A_17 = arith.addf %add3A_15, %slice3A_16 : vector<4096x128xf32>
    %slice3A_18 = vector.extract_strided_slice %exp23A {offsets = [0, 512], sizes = [4096, 128], strides = [1, 1]} : vector<4096x2048xf32> to vector<4096x128xf32>
    %add3A_19 = arith.addf %add3A_17, %slice3A_18 : vector<4096x128xf32>
    %slice3A_20 = vector.extract_strided_slice %exp23A {offsets = [0, 640], sizes = [4096, 128], strides = [1, 1]} : vector<4096x2048xf32> to vector<4096x128xf32>
    %add3A_21 = arith.addf %add3A_19, %slice3A_20 : vector<4096x128xf32>
    %slice3A_22 = vector.extract_strided_slice %exp23A {offsets = [0, 768], sizes = [4096, 128], strides = [1, 1]} : vector<4096x2048xf32> to vector<4096x128xf32>
    %add3A_23 = arith.addf %add3A_21, %slice3A_22 : vector<4096x128xf32>
    %slice3A_24 = vector.extract_strided_slice %exp23A {offsets = [0, 896], sizes = [4096, 128], strides = [1, 1]} : vector<4096x2048xf32> to vector<4096x128xf32>
    %add3A_25 = arith.addf %add3A_23, %slice3A_24 : vector<4096x128xf32>
    %slice3A_26 = vector.extract_strided_slice %exp23A {offsets = [0, 1024], sizes = [4096, 128], strides = [1, 1]} : vector<4096x2048xf32> to vector<4096x128xf32>
    %add3A_27 = arith.addf %add3A_25, %slice3A_26 : vector<4096x128xf32>
    %slice3A_28 = vector.extract_strided_slice %exp23A {offsets = [0, 1152], sizes = [4096, 128], strides = [1, 1]} : vector<4096x2048xf32> to vector<4096x128xf32>
    %add3A_29 = arith.addf %add3A_27, %slice3A_28 : vector<4096x128xf32>
    %slice3A_30 = vector.extract_strided_slice %exp23A {offsets = [0, 1280], sizes = [4096, 128], strides = [1, 1]} : vector<4096x2048xf32> to vector<4096x128xf32>
    %add3A_31 = arith.addf %add3A_29, %slice3A_30 : vector<4096x128xf32>
    %slice3A_32 = vector.extract_strided_slice %exp23A {offsets = [0, 1408], sizes = [4096, 128], strides = [1, 1]} : vector<4096x2048xf32> to vector<4096x128xf32>
    %add3A_33 = arith.addf %add3A_31, %slice3A_32 : vector<4096x128xf32>
    %slice3A_34 = vector.extract_strided_slice %exp23A {offsets = [0, 1536], sizes = [4096, 128], strides = [1, 1]} : vector<4096x2048xf32> to vector<4096x128xf32>
    %add3A_35 = arith.addf %add3A_33, %slice3A_34 : vector<4096x128xf32>
    %slice3A_36 = vector.extract_strided_slice %exp23A {offsets = [0, 1664], sizes = [4096, 128], strides = [1, 1]} : vector<4096x2048xf32> to vector<4096x128xf32>
    %add3A_37 = arith.addf %add3A_35, %slice3A_36 : vector<4096x128xf32>
    %slice3A_38 = vector.extract_strided_slice %exp23A {offsets = [0, 1792], sizes = [4096, 128], strides = [1, 1]} : vector<4096x2048xf32> to vector<4096x128xf32>
    %add3A_39 = arith.addf %add3A_37, %slice3A_38 : vector<4096x128xf32>
    %slice3A_40 = vector.extract_strided_slice %exp23A {offsets = [0, 1920], sizes = [4096, 128], strides = [1, 1]} : vector<4096x2048xf32> to vector<4096x128xf32>
    %add3A_41 = arith.addf %add3A_39, %slice3A_40 : vector<4096x128xf32>
    %get3A_42 = arith.constant 0 : index
    %get3A_43 = arith.constant 0 : index
    %get3A_44 = vector.load %arg9[%get3A_42, %get3A_43] : memref<4096x128xf32, #tpu.memory_space<vmem>>, vector<4096x128xf32>
    %add3A_45 = arith.addf %get3A_44, %add3A_41 : vector<4096x128xf32>
    %swap3A = arith.constant 0 : index
    %swap3A_46 = arith.constant 0 : index
    %swap3A_47 = vector.load %arg9[%swap3A, %swap3A_46] : memref<4096x128xf32, #tpu.memory_space<vmem>>, vector<4096x128xf32>
    tpu.vector_store %arg9[%swap3A, %swap3A_46], %add3A_45 {strides = array<i32>} : memref<4096x128xf32, #tpu.memory_space<vmem>>, vector<4096x128xf32>,
    %eq3A_48 = arith.constant 48 : i32
    %eq3A_49 = arith.cmpi eq, %arg0, %eq3A_48 : i32
    %convert_element_type3A_50 = arith.extui %eq3A_49 : i1 to i32
    %cond3A_51 = arith.constant 0 : i32
    %cond3A_52 = arith.cmpi ne, %convert_element_type3A_50, %cond3A_51 : i32
    scf.if %cond3A_52 {
      %get3A_53 = arith.constant 0 : index
      %get3A_54 = arith.constant 0 : index
      %get3A_55 = vector.load %arg9[%get3A_53, %get3A_54] : memref<4096x128xf32, #tpu.memory_space<vmem>>, vector<4096x128xf32>
      %reduce_sum3A = arith.constant dense<0.000000e+00> : vector<4096xf32>
      %reduce_sum3A_56 = vector.multi_reduction <add>, %get3A_55, %reduce_sum3A [1] : vector<4096x128xf32> to vector<4096xf32>
      %broadcast_in_dim3A = vector.shape_cast %reduce_sum3A_56 : vector<4096xf32> to vector<4096x1xf32>
      %log3A = math.log %broadcast_in_dim3A : vector<4096x1xf32>
      %log3A_57 = arith.constant 2.000000e+00 : f32
      %log3A_58 = math.log %log3A_57 : f32
      %div3A = vector.broadcast %log3A_58 : f32 to vector<4096x1xf32>
      %div3A_59 = arith.divf %log3A, %div3A : vector<4096x1xf32>
      %get3A_60 = arith.constant 0 : index
      %get3A_61 = arith.constant 0 : index
      %get3A_62 = vector.load %arg7[%get3A_60, %get3A_61] : memref<1x2xf32, #tpu.memory_space<vmem>>, vector<1x1xf32>
      %get3A_63 = vector.extract %get3A_62[0, 0] : f32 from vector<1x1xf32>
      %add3A_64 = vector.broadcast %get3A_63 : f32 to vector<4096x1xf32>
      %add3A_65 = arith.addf %div3A_59, %add3A_64 : vector<4096x1xf32>
      %get3A_66 = arith.constant 0 : index
      %get3A_67 = arith.constant 0 : index
      %get3A_68 = vector.load %arg1[%get3A_66, %get3A_67] : memref<4096x128xbf16, #tpu.memory_space<vmem>>, vector<4096x128xbf16>
      %convert_element_type3A_69 = arith.extf %get3A_68 : vector<4096x128xbf16> to vector<4096x128xf32>
      %get3A_70 = arith.constant 0 : index
      %get3A_71 = arith.constant 0 : index
      %get3A_72 = vector.load %arg4[%get3A_70, %get3A_71] : memref<4096x128xf32, #tpu.memory_space<vmem>>, vector<4096x128xf32>
      %mul3A = arith.mulf %convert_element_type3A_69, %get3A_72 : vector<4096x128xf32>
      %get3A_73 = arith.constant 0 : index
      %get3A_74 = arith.constant 0 : index
      %get3A_75 = vector.load %arg5[%get3A_73, %get3A_74] : memref<4096x128xf32, #tpu.memory_space<vmem>>, vector<4096x128xf32>
      %get3A_76 = arith.constant 0 : index
      %get3A_77 = arith.constant 0 : index
      %get3A_78 = vector.load %arg6[%get3A_76, %get3A_77] : memref<4096x1xi32, #tpu.memory_space<vmem>>, vector<4096x1xi32>
      %and3A = arith.constant 127 : i32
      %and3A_79 = vector.broadcast %and3A : i32 to vector<4096x1xi32>
      %and3A_80 = arith.andi %get3A_78, %and3A_79 : vector<4096x1xi32>
      %iota3A = tpu.iota {dimensions = array<i32: 1>} : vector<4096x128xi32>
      %eq3A_81 = vector.broadcast %and3A_80 : vector<4096x1xi32> to vector<4096x128xi32>
      %eq3A_82 = arith.cmpi eq, %iota3A, %eq3A_81 : vector<4096x128xi32>
      %jit3A = arith.constant 0.000000e+00 : f32
      %broadcast_in_dim3A_83 = vector.broadcast %jit3A : f32 to vector<4096x128xf32>
      %select_n3A = arith.select %eq3A_82, %get3A_75, %broadcast_in_dim3A_83 : vector<4096x128xi1>, vector<4096x128xf32>
      %reduce_sum3A_84 = arith.constant dense<0.000000e+00> : vector<4096xf32>
      %reduce_sum3A_85 = vector.multi_reduction <add>, %select_n3A, %reduce_sum3A_84 [1] : vector<4096x128xf32> to vector<4096xf32>
      %broadcast_in_dim3A_86 = vector.shape_cast %reduce_sum3A_85 : vector<4096xf32> to vector<4096x1xf32>
      %reduce_sum3A_87 = arith.constant dense<0.000000e+00> : vector<4096xf32>
      %reduce_sum3A_88 = vector.multi_reduction <add>, %mul3A, %reduce_sum3A_87 [1] : vector<4096x128xf32> to vector<4096xf32>
      %broadcast_in_dim3A_89 = vector.shape_cast %reduce_sum3A_88 : vector<4096xf32> to vector<4096x1xf32>
      %sub3A = arith.subf %add3A_65, %broadcast_in_dim3A_89 : vector<4096x1xf32>
      %mul3A_90 = arith.constant 0.693147182 : f32
      %mul3A_91 = vector.broadcast %mul3A_90 : f32 to vector<4096x1xf32>
      %mul3A_92 = arith.mulf %mul3A_91, %sub3A : vector<4096x1xf32>
      %sub3A_93 = arith.subf %mul3A_92, %broadcast_in_dim3A_86 : vector<4096x1xf32>
      %reduce_sum3A_94 = vector.shape_cast %sub3A_93 : vector<4096x1xf32> to vector<1x4096x1xf32>
      %reduce_sum3A_95 = arith.constant dense<0.000000e+00> : vector<1xf32>
      %reduce_sum3A_96 = vector.multi_reduction <add>, %reduce_sum3A_94, %reduce_sum3A_95 [1, 2] : vector<1x4096x1xf32> to vector<1xf32>
      %reduce_sum3A_97 = vector.shape_cast %reduce_sum3A_96 : vector<1xf32> to vector<1x1x1xf32>
      %reduce_sum3A_98 = vector.extract %reduce_sum3A_97[0, 0, 0] : f32 from vector<1x1x1xf32>
      %div3A_99 = arith.constant 4.096000e+03 : f32
      %div3A_100 = arith.divf %reduce_sum3A_98, %div3A_99 : f32
      %reshape3A = vector.broadcast %div3A_100 : f32 to vector<1x1xf32>
      %swap3A_101 = arith.constant 0 : index
      %swap3A_102 = arith.constant 0 : index
      %swap3A_103 = vector.load %arg8[%swap3A_101, %swap3A_102] : memref<1x1xf32, #tpu.memory_space<vmem>>, vector<1x1xf32>
      tpu.vector_store %arg8[%swap3A_101, %swap3A_102], %reshape3A {strides = array<i32>} : memref<1x1xf32, #tpu.memory_space<vmem>>, vector<1x1xf32>,
    } else {
    }
    return
  }
  func.func @transform_0(%arg0: i32) -> (i32, i32) {
    %c0_i32 = arith.constant 0 : i32
    %c0_i32_0 = arith.constant 0 : i32
    %c0_i32_1 = arith.constant 0 : i32
    return %c0_i32, %c0_i32_0 : i32, i32
  }
  func.func @transform_1(%arg0: i32) -> (i32, i32) {
    %c0_i32 = arith.constant 0 : i32
    %c0_i32_0 = arith.constant 0 : i32
    return %arg0, %c0_i32 : i32, i32
  }
  func.func @transform_2(%arg0: i32) -> (i32, i32) {
    %c0_i32 = arith.constant 0 : i32
    %c0_i32_0 = arith.constant 0 : i32
    return %c0_i32, %arg0 : i32, i32
  }
  func.func @transform_3(%arg0: i32) -> (i32, i32) {
    %c0_i32 = arith.constant 0 : i32
    %c0_i32_0 = arith.constant 0 : i32
    %c0_i32_1 = arith.constant 0 : i32
    return %c0_i32, %c0_i32_0 : i32, i32
  }
  func.func @transform_4(%arg0: i32) -> (i32, i32) {
    %c0_i32 = arith.constant 0 : i32
    %c0_i32_0 = arith.constant 0 : i32
    %c0_i32_1 = arith.constant 0 : i32
    return %c0_i32, %c0_i32_0 : i32, i32
  }
  func.func @transform_5(%arg0: i32) -> (i32, i32) {
    %c0_i32 = arith.constant 0 : i32
    %c0_i32_0 = arith.constant 0 : i32
    %c0_i32_1 = arith.constant 0 : i32
    return %c0_i32, %c0_i32_0 : i32, i32
  }
  func.func @transform_6(%arg0: i32) -> (i32, i32) {
    %c0_i32 = arith.constant 0 : i32
    %c0_i32_0 = arith.constant 0 : i32
    %c0_i32_1 = arith.constant 0 : i32
    return %c0_i32, %c0_i32_0 : i32, i32
  }
  func.func @transform_7(%arg0: i32) -> (i32, i32) {
    %c0_i32 = arith.constant 0 : i32
    %c0_i32_0 = arith.constant 0 : i32
    %c0_i32_1 = arith.constant 0 : i32
    return %c0_i32, %c0_i32_0 : i32, i32
  }
}

</mosaic_0001>

<sc_bundles>
// kernel: kernel.6.cloned.1.call-start
scs
__scs_entry_jumppad:
0x0: {  	(pc) =	sbr.rel $0x88, $3  }
0x1: {  	(tag) =	ssettag $0x0;
	lr =	simm.s32 $0x1  }
0x2: {  	[smem:$0x3F9C] =	sst lr;
	_ =	strace $0xD0000000  }
0x3: {  	_ = 	snop  }
0x4: {  	_ = 	snop  }
0x5: {  	_ = 	snop  }
0x6: {  	_ = 	snop  }
0x7: {  	_ = 	snop  }
__scs_overlays_trampoline_lowered:
0x8: {  	[smem:$0x3FAB] =	sst s0  }
0x9: {  	[smem:$0x3FAC] =	sst s1  }
0xa: {  	[smem:$0x3FAD] =	sst s2  }
0xb: {  	[smem:$0x3FAE] =	sst s3  }
0xc: {  	[smem:$0x3FAF] =	sst s4  }
0xd: {  	[smem:$0x3FB0] =	sst s5  }
0xe: {  	[smem:$0x3FB1] =	sst s6  }
0xf: {  	[smem:$0x3FB2] =	sst s7  }
0x10: {  	[smem:$0x3FB3] =	sst s8  }
0x11: {  	[smem:$0x3FB4] =	sst s9;
	s0 =	simm.s32 @!p0 $0x0  }
0x12: {  	s1 =	sld [smem:$0x3F9A];
	s0 =	simm.s32 @p0 $0x1  }
0x13: {  	[smem:$0x3FB5] =	sst s0;
	s0 =	simm.s32 @!p1 $0x0  }
0x14: {  	s2 =	sld [smem:$0x3F99];
	s0 =	simm.s32 @p1 $0x1  }
0x15: {  	[smem:$0x3FB6] =	sst s0;
	s0 =	simm.s32 @!p2 $0x0  }
0x16: {  	s3 =	sld [smem:$0x3FDB];
	s0 =	simm.s32 @p2 $0x1  }
0x17: {  	s4 =	simm.s32 $0x1BF5;
	[smem:$0x3FB8] =	sst s0  }
0x18: {  	s0 =	sld [smem:$0x3F9B];
	_ =	swait.ge [sflag:s4], $0x0  }
0x19: {  	s7 =	sld [smem:$0x3F9C]  }
0x1a: {  	s8 =	sadd.s32 $0xFFFFE003, lr  }
0x1b: {  	s9 =	sadd.s32 $0xFFFFFEF7, lr;
	s5 =	simm.s32 $0xFFFFFFFF;
	p2 =	slt.u32 s8, $0xFFFFF086  }
0x1c: {  	p1 =	slt.u32 s9, $0xF7A;
	s5 =	simm.s32 @!p2 $0x0  }
0x1d: {  	s5 =	simm.s32 @p1 $0x1;
	p0 =	seq.s32 s7, s2  }
0x1e: {  	s7 =	smul.u32 @!p0 $0xF7A, s2;
	p2 =	seq.s32 @!p0 s5, $0x0  }
0x1f: {  	s9 =	smul.u32 $0xF7A, s1;
	s8 =	simm.s32 @!p0 $0x1BF5;
	p2 =	por !p2, p0  }
0x20: {  	[sflag:s8] =	ssyncset.s32 @!p0 $0xFFFFF086;
	s6 =	sadd.s32 @!p0 s3, s7;
	s7 =	simm.s32 @!p0 $0x108  }
0x21: {  	s3 =	sadd.s32 s3, s9;
	s6 =	sadd.s32 @!p0 $0x88, s6;
	s7 =	simm.s32 @p2 $0x1082  }
0x22: {  	[simem:s7], [sflag:s8] =	dma.local @!p0 [hbm:s6], $0xF7A  }
0x23: {  	s9 =	sor.u32 $0xD0000000, s2;
	s6 =	simm.s32 $0x108;
	_ =	swait.ge @!p0 [sflag:s8], $0x0  }
0x24: {  	s3 =	sadd.s32 $0x88, s3;
	s6 =	simm.s32 @!p1 $0x1082;
	[sflag:s4] =	ssyncset.s32 $0xFFFFF086  }
0x25: {  	[simem:s6], [sflag:s4] =	dma.local [hbm:s3], $0xF7A  }
0x26: {  	[smem:$0x3F9C] =	sst s1;
	(tag) =	ssettag s2;
	_ =	strace s9  }
0x27: {  	s1 =	sld [smem:$0x3FAC]  }
0x28: {  	s2 =	sld [smem:$0x3FAD]  }
0x29: {  	s4 =	sld [smem:$0x3FAF]  }
0x2a: {  	p0 =	seq.s32 s5, $0x0;
	s5 =	sld [smem:$0x3FB0]  }
0x2b: {  	s6 =	sld [smem:$0x3FB1]  }
0x2c: {  	s7 =	sld [smem:$0x3FB2]  }
0x2d: {  	s3 =	simm.s32 $0x108;
	s8 =	sld [smem:$0x3FB3]  }
0x2e: {  	s3 =	simm.s32 @!p0 $0x1082;
	s9 =	sld [smem:$0x3FB4]  }
0x2f: {  	lr =	sadd.s32 s0, s3;
	s0 =	sld [smem:$0x3FAB]  }
0x30: {  	s3 =	sld [smem:$0x3FAE]  }
0x31: {  	[smem:$0x3FB7] =	sst s10  }
0x32: {  	s10 =	sld [smem:$0x3FB5];
	_ =	sdelay $0x3  }
0x33: {  	p0 =	seq.s32 s10, $0x1;
	s10 =	sld [smem:$0x3FB7];
	_ =	sdelay $0x3  }
0x34: {  	[smem:$0x3FB7] =	sst s10  }
0x35: {  	s10 =	sld [smem:$0x3FB6];
	_ =	sdelay $0x3  }
0x36: {  	p1 =	seq.s32 s10, $0x1;
	s10 =	sld [smem:$0x3FB7];
	_ =	sdelay $0x3  }
0x37: {  	[smem:$0x3FB7] =	sst s10  }
0x38: {  	s10 =	sld [smem:$0x3FB8]  }
0x39: {  	_ = 	snop;
	(pc) =	sbr.ind lr, $3  }
0x3a: {  	_ = 	snop  }
0x3b: {  	_ = 	snop  }
0x3c: {  	p2 =	seq.s32 s10, $0x1;
	s10 =	sld [smem:$0x3FB7]  }
0x3d: {  	_ =	shalt  }
0x3e: {  	_ =	shalt  }
0x3f: {  	_ =	shalt  }
0x40: {  	_ =	shalt  }
0x41: {  	_ =	shalt  }
0x42: {  	_ =	shalt  }
0x43: {  	_ =	shalt  }
0x44: {  	_ =	shalt  }
0x45: {  	_ =	shalt  }
0x46: {  	_ =	shalt  }
0x47: {  	_ =	shalt  }
0x48: {  	_ =	shalt  }
0x49: {  	_ =	shalt  }
0x4a: {  	_ =	shalt  }
0x4b: {  	_ =	shalt  }
0x4c: {  	_ =	shalt  }
0x4d: {  	_ =	shalt  }
0x4e: {  	_ =	shalt  }
0x4f: {  	_ =	shalt  }
0x50: {  	_ =	shalt  }
0x51: {  	_ =	shalt  }
0x52: {  	_ =	shalt  }
0x53: {  	_ =	shalt  }
0x54: {  	_ =	shalt  }
0x55: {  	_ =	shalt  }
0x56: {  	_ =	shalt  }
0x57: {  	_ =	shalt  }
0x58: {  	_ =	shalt  }
0x59: {  	_ =	shalt  }
0x5a: {  	_ =	shalt  }
0x5b: {  	_ =	shalt  }
0x5c: {  	_ =	shalt  }
0x5d: {  	_ =	shalt  }
0x5e: {  	_ =	shalt  }
0x5f: {  	_ =	shalt  }
0x60: {  	_ =	shalt  }
0x61: {  	_ =	shalt  }
0x62: {  	_ =	shalt  }
0x63: {  	_ =	shalt  }
0x64: {  	_ =	shalt  }
0x65: {  	_ =	shalt  }
0x66: {  	_ =	shalt  }
0x67: {  	_ =	shalt  }
0x68: {  	_ =	shalt  }
0x69: {  	_ =	shalt  }
0x6a: {  	_ =	shalt  }
0x6b: {  	_ =	shalt  }
0x6c: {  	_ =	shalt  }
0x6d: {  	_ =	shalt  }
0x6e: {  	_ =	shalt  }
0x6f: {  	_ =	shalt  }
0x70: {  	_ =	shalt  }
0x71: {  	_ =	shalt  }
0x72: {  	_ =	shalt  }
0x73: {  	_ =	shalt  }
0x74: {  	_ =	shalt  }
0x75: {  	_ =	shalt  }
0x76: {  	_ =	shalt  }
0x77: {  	_ =	shalt  }
0x78: {  	_ =	shalt  }
0x79: {  	_ =	shalt  }
0x7a: {  	_ =	shalt  }
0x7b: {  	_ =	shalt  }
0x7c: {  	_ =	shalt  }
0x7d: {  	_ =	shalt  }
0x7e: {  	_ =	shalt  }
0x7f: {  	_ =	shalt  }
0x80: {  	_ =	shalt  }
0x81: {  	_ =	shalt  }
0x82: {  	_ =	shalt  }
0x83: {  	_ =	shalt  }
0x84: {  	_ =	shalt  }
0x85: {  	_ =	shalt  }
0x86: {  	_ =	shalt  }
0x87: {  	_ =	shalt  }
.Lfunc_end0:
.L_simem_size_0:
called_computation_lowered:
.L_overlay_start_0:
0x88: {  	s2 =	sld [smem:$0x3FD9]  }
0x89: {  	s3 =	sld [smem:$0x3FFE];
	_ =	sdelay $0x1  }
0x8a: {  	s1 =	srdreg.scid  }
0x8b: {  	s0 =	sand.u32 $0x1, s1  }
0x8c: {  	s17 =	sshll.u32 s0, $0xA;
	s2 =	sadd.s32 s3, s2  }
0x8d: {  	s2 =	sadd.s32 s2, s17  }
0x8e: {  	[smem:$0x3FC3] =	sst s2  }
0x8f: {  	_ = 	snop  }
0x90: {  	s2 =	sld [smem:$0x3FC8]  }
0x91: {  	s18 =	sld [smem:$0x3FC7]  }
0x92: {  	s4 =	sld [smem:$0x3FC6];
	(tm) =	ssettm $0x1  }
0x93: {  	s5 =	sld [smem:$0x3FFB];
	_ =	sdelay $0x3  }
0x94: {  	_ =	strace s5  }
0x95: {  	s5 =	sld [smem:$0x3FFC];
	_ =	sdelay $0x3  }
0x96: {  	_ =	strace s5  }
0x97: {  	s5 =	sld [smem:$0x3FFD];
	_ =	sdelay $0x3  }
0x98: {  	_ =	strace s5  }
0x99: {  	_ =	strace $0x8FFFFFFF  }
0x9a: {  	s19 =	sld [smem:$0x3FDB];
	_ =	sdelay $0x1  }
0x9b: {  	s6 =	simm.s32 $_scs_section_size  }
0x9c: {  	s7 =	simm.s32 $_size__tile_overlayer_lowered;
	s8 =	simm.s32 $_tile_overlayer_lowered  }
0x9d: {  	s22 =	simm.s32 $0x1BFF;
	s21 =	sshll.u32 s8, $0x1;
	s5 =	sadd.s32 s6, s19  }
0x9e: {  	s9 =	simm.s32 $0x0;
	s20 =	sshll.u32 s7, $0x1;
	s7 =	sadd.s32 s21, s5  }
0x9f: {  	[timem:s9], [sflag:s22] =	dma.local [hbm:s7], s20  }
0xa0: {  	_ =	swait.ge [sflag:s22], s20  }
0xa1: {  	s6 =	ssub.s32 $0x0, s20;
	[sflag:s22] =	ssyncset.done $0x0  }
0xa2: {  	[sflag:s22] =	ssyncadd.s32 s6;
	_ =	sdelay $0x1  }
0xa3: {  	s23 =	simm.s32 $0x1B8B  }
0xa4: {  	_ =	swait.ge [sflag:s23], $0x1  }
0xa5: {  	[sflag:s23] =	ssyncset.done $0x0  }
0xa6: {  	s25 =	simm.s32 $0x1B8E;
	s24 =	sld [smem:$0x3FFE];
	[sflag:s23] =	ssyncadd.s32 $0xFFFFFFFF  }
0xa7: {  	s26 =	simm.s32 $execute0_lowered;
	[smem:$0x3FD2] =	sst s25  }
0xa8: {  	s7 =	sshll.u32 s26, $0x1;
	_ =	strace $0x80000046;
	[dreg:$0x1] =	wrdreg $0xFFFFFFFF  }
0xa9: {  	s28 =	simm.s32 $_size_execute0_lowered;
	s5 =	sadd.s32 s5, s7;
	[dreg:$0x0] =	wrdreg $0x0  }
0xaa: {  	s7 =	sshll.u32 s28, $0x1;
	[dreg:$0x2] =	wrdreg s5  }
0xab: {  	[dreg:$0x3] =	wrdreg s7  }
0xac: {  	[dreg:$0x4] =	wrdreg $0xC0  }
0xad: {  	_ =	task [dreg:s9], $0x5FFFF  }
0xae: {  	[dreg:$0x1] =	wrdreg $0xFFFFFFFF  }
0xaf: {  	[dreg:$0x0] =	wrdreg $0x60  }
0xb0: {  	[dreg:$0x2] =	wrdreg s24  }
0xb1: {  	[dreg:$0x3] =	wrdreg s2  }
0xb2: {  	[dreg:$0x4] =	wrdreg s18  }
0xb3: {  	[dreg:$0x5] =	wrdreg s4  }
0xb4: {  	[dreg:$0x6] =	wrdreg $0x9  }
0xb5: {  	_ =	task.clear_ibuf [dreg:s9], $0x7FFFF;
	_ =	strace $0x90000046  }
0xb6: {  	s29 =	simm.s32 $0x9;
	_ =	strace $0x80000048  }
0xb7: {  	_ =	swait.ge [sflag:s29], $0x1  }
0xb8: {  	[sflag:s29] =	ssyncadd.s32 $0xFFFFFFFF  }
0xb9: {  	_ =	strace $0x90000048  }
0xba: {  	_ =	sfence  }
0xbb: {  	s30 =	sld [smem:$0x0];
	_ =	sdelay $0x2  }
0xbc: {  	s31 =	sshll.u32 s1, $0xD;
	s1 =	sshrl.u32 s1, $0x2  }
0xbd: {  	s3 =	sand.u32 $0x4000, s31;
	s1 =	sadd.s32 s1, s30  }
0xbe: {  	s0 =	sor.u32 s3, s0;
	s1 =	sshll.u32 s1, $0x11  }
0xbf: {  	s0 =	sor.u32 s1, s0  }
0xc0: {  	s0 =	sadd.s32 $0x8F2B, s0  }
0xc1: {  	[sflag:s0] =	ssyncadd.remote.s32 $0x1  }
0xc2: {  	_ =	sfence.sel $0xFFFF  }
0xc3: {  	[dreg:$0x0] =	wrdreg $0xFFFFFFFF;
	(pc) =	sbr.abs _section_cstart, $3  }
0xc4: {  	[dreg:$0x1] =	wrdreg $0xFFFFFFFF  }
0xc5: {  	_ =	task.clear_ibuf [dreg:s9], $0x2FFFF;
	_ =	strace $0x9FFFFFFF  }
0xc6: {  	(tm) =	ssettm $0x7FFFFFFF  }
0xc7: {  	_ =	shalt  }
tec
execute0_lowered:
.L_overlay_start_1:
0x0: {  	(tag) =	ssettag $0x1  }
0x1: {  	s1 =	rddreg [dreg:$0x0]  }
0x2: {  	s7 =	rddreg [dreg:$0x1]  }
0x3: {  	s2 =	rddreg [dreg:$0x2]  }
0x4: {  	s0 =	srdreg.scid;
	s3 =	rddreg [dreg:$0x3];
	s12 =	simm.s32 $0x3  }
0x5: {  	s13 =	simm.s32 $0xA00;
	s14 =	simm.s32 $0x80;
	s15 =	simm.s32 $0x15B00  }
0x6: {  	s16 =	simm.s32 $0xA80;
	s17 =	simm.s32 $0x19B00;
	s18 =	simm.s32 $0xB00  }
0x7: {  	s19 =	simm.s32 $0x4B00;
	s20 =	simm.s32 $0x8B00;
	s21 =	simm.s32 $0xCB00  }
0x8: {  	s22 =	simm.s32 $0x10B00;
	s23 =	simm.s32 $0x1;
	s24 =	simm.s32 $0x14B00  }
0x9: {  	s25 =	simm.s32 $0x2;
	s26 =	simm.s32 $0x0;
	s5 =	sand.u32 $0x1, s0  }
0xa: {  	s0 =	stileid.u32;
	s4 =	sshll.u32 s5, $0x4;
	s9 =	ssub.s32 $0x2, s5  }
0xb: {  	s5 =	sadd.s32 $0x3800, s1;
	s6 =	sor.u32 s0, s4;
	s4 =	simm.s32 $0x0  }
0xc: {  	s11 =	sshrl.u32 s9, $0x1;
	s8 =	smul.u32 $0x140, s6;
	[smem:$0x7FF] =	sst s4  }
0xd: {  	s10 =	sshll.u32 s6, $0xB;
	s11 =	ssub.s32 s9, s11;
	s31 =	sshll.u32 s6, $0x4  }
0xe: {  	_ =	strace $0x80000047;
	s7 =	sadd.s32 s7, s31;
	s8 =	sadd.s32 s8, s1  }
0xf: {  	s11 =	smax.u32 s11, $0x1;
	s1 =	sadd.s32 s10, s1;
	s6 =	sadd.s32 $0x1000, s8  }
0x10: {  	s8 =	sadd.s32 $0x6A00, s1;
	s9 =	sadd.s32 $0x16A00, s1;
	s10 =	sadd.s32 $0x26A00, s1  }
.LBB2_1:
0x11: {  	[tilespmem:s4], [sflag:$0x3] =	stream.linear.gather [hbm4b:s6+s4], $0xA00, $0x38;
	[tilespmem:$0x1DB00] =	vst v63  }
0x12: {  	_ =	swait.ge [sflag:s12], $0xA00  }
0x13: {  	[sflag:s12] =	ssyncset.done $0x0  }
0x14: {  	[sflag:s12] =	ssyncadd.s32 $0xFFFFF600  }
0x15: {  	[tilespmem:s13], [sflag:$0x3] =	stream.linear.gather [hbm4b:s7+s4], $0x80, $0x38;
	[tilespmem:$0x1DB00] =	vst v63  }
0x16: {  	_ =	swait.ge [sflag:s12], $0x80  }
0x17: {  	[sflag:s12] =	ssyncset.done $0x0  }
0x18: {  	[sflag:s12] =	ssyncadd.s32 $0xFFFFFF80  }
0x19: {  	v0 =	vld [tilespmem:$0xA00]  }
0x1a: {  	v1 =	vld [tilespmem:$0xA10]  }
0x1b: {  	v2 =	vld [tilespmem:$0xA20]  }
0x1c: {  	v3 =	vld [tilespmem:$0xA30]  }
0x1d: {  	v4 =	vld [tilespmem:$0xA40]  }
0x1e: {  	v5 =	vld [tilespmem:$0xA50];
	v0 =	vshrl.u32 v0, $0x7  }
0x1f: {  	v56 =	vld [tilespmem:$0xA60];
	v55 =	vshrl.u32 v1, $0x7;
	[tilespmem:$0xA80] =	vst v0  }
0x20: {  	v58 =	vld [tilespmem:$0xA70];
	v57 =	vshrl.u32 v2, $0x7;
	[tilespmem:$0xA90] =	vst v55  }
0x21: {  	v59 =	vshrl.u32 v3, $0x7;
	[tilespmem:$0xAA0] =	vst v57  }
0x22: {  	v60 =	vshrl.u32 v4, $0x7;
	[tilespmem:$0xAB0] =	vst v59  }
0x23: {  	v61 =	vshrl.u32 v5, $0x7;
	[tilespmem:$0xAC0] =	vst v60  }
0x24: {  	v62 =	vshrl.u32 v56, $0x7;
	[tilespmem:$0xAD0] =	vst v61  }
0x25: {  	v63 =	vshrl.u32 v58, $0x7;
	[tilespmem:$0xAE0] =	vst v62  }
0x26: {  	[tilespmem:$0xAF0] =	vst v63  }
0x27: {  	[tilespmem:s15], [sflag:$0x2] =	stream.indirect.gather [hbm4b:s3+s14], $0x80, s13, s14, $0xb8;
	[tilespmem:$0x1DB00] =	vst v63  }
0x28: {  	s28 =	simm.s32 $0x0  }
0x29: {  	[tilespmem:s17], [sflag:$0x2] =	stream.indirect.gather [hbm4b:s5+s14], $0x80, s16, s14, $0xb8;
	[tilespmem:$0x1DB00] =	vst v63  }
.LBB2_2:
0x2a: {  	s1 =	smul.u32 $0xA00, s28;
	_ =	sdelay $0x1  }
0x2b: {  	s1 =	sshra.s32 s1, $0x2  }
0x2c: {  	[tilespmem:s18], [sflag:$0x1] =	stream.indirect.gather [hbm4b:s2+s14], $0x80, s1, s14, $0xb8;
	[tilespmem:$0x1DB00] =	vst v63  }
0x2d: {  	s29 =	sadd.s32 $0x80, s1  }
0x2e: {  	[tilespmem:s19], [sflag:$0x1] =	stream.indirect.gather [hbm4b:s2+s14], $0x80, s29, s14, $0xb8;
	[tilespmem:$0x1DB00] =	vst v63  }
0x2f: {  	s29 =	sadd.s32 $0x100, s1  }
0x30: {  	[tilespmem:s20], [sflag:$0x1] =	stream.indirect.gather [hbm4b:s2+s14], $0x80, s29, s14, $0xb8;
	[tilespmem:$0x1DB00] =	vst v63  }
0x31: {  	s29 =	sadd.s32 $0x180, s1  }
0x32: {  	[tilespmem:s21], [sflag:$0x1] =	stream.indirect.gather [hbm4b:s2+s14], $0x80, s29, s14, $0xb8;
	[tilespmem:$0x1DB00] =	vst v63  }
0x33: {  	s1 =	sadd.s32 $0x200, s1  }
0x34: {  	[tilespmem:s22], [sflag:$0x1] =	stream.indirect.gather [hbm4b:s2+s14], $0x80, s1, s14, $0xb8;
	[tilespmem:$0x1DB00] =	vst v63  }
0x35: {  	_ =	swait.ge [sflag:s23], $0x4000  }
0x36: {  	[sflag:s23] =	ssyncset.done $0x0  }
0x37: {  	[sflag:s23] =	ssyncadd.s32 $0xFFFFC000  }
0x38: {  	_ =	swait.ge [sflag:s23], $0x4000  }
0x39: {  	[sflag:s23] =	ssyncset.done $0x0  }
0x3a: {  	[sflag:s23] =	ssyncadd.s32 $0xFFFFC000  }
0x3b: {  	_ =	swait.ge [sflag:s23], $0x4000  }
0x3c: {  	[sflag:s23] =	ssyncset.done $0x0  }
0x3d: {  	[sflag:s23] =	ssyncadd.s32 $0xFFFFC000  }
0x3e: {  	_ =	swait.ge [sflag:s23], $0x4000  }
0x3f: {  	[sflag:s23] =	ssyncset.done $0x0  }
0x40: {  	[sflag:s23] =	ssyncadd.s32 $0xFFFFC000  }
0x41: {  	_ =	swait.ge [sflag:s23], $0x4000  }
0x42: {  	[sflag:s23] =	ssyncset.done $0x0  }
0x43: {  	s29 =	simm.s32 $0x1000;
	[sflag:s23] =	ssyncadd.s32 $0xFFFFC000  }
0x44: {  	v0 =	vld [tilespmem:s29+$0xFFFFFB80]  }
0x45: {  	v1 =	vld [tilespmem:s29+$0xFFFFFB00];
	_ =	sdelay $0x1  }
0x46: {  	v2 =	vld [tilespmem:s29+$0xFFFFFC00];
	_ =	sdelay $0x1  }
0x47: {  	v3 =	vld [tilespmem:s29+$0xFFFFFC80]  }
0x48: {  	v0 =	vadd.f32 v0, v1  }
0x49: {  	v1 =	vld [tilespmem:s29+$0xFFFFFD00]  }
0x4a: {  	v0 =	vadd.f32 v2, v0  }
0x4b: {  	v2 =	vld [tilespmem:s29+$0xFFFFFD80]  }
0x4c: {  	v0 =	vadd.f32 v3, v0  }
0x4d: {  	v3 =	vld [tilespmem:s29+$0xFFFFFE00]  }
0x4e: {  	v0 =	vadd.f32 v1, v0  }
0x4f: {  	v1 =	vld [tilespmem:s29+$0xFFFFFE80]  }
0x50: {  	v0 =	vadd.f32 v2, v0  }
0x51: {  	v2 =	vld [tilespmem:s29+$0xFFFFFF00]  }
0x52: {  	v0 =	vadd.f32 v3, v0  }
0x53: {  	v3 =	vld [tilespmem:s29+$0xFFFFFF80]  }
0x54: {  	v0 =	vadd.f32 v1, v0  }
0x55: {  	v1 =	vld [tilespmem:s29+$0x0]  }
0x56: {  	v0 =	vadd.f32 v2, v0  }
0x57: {  	v2 =	vld [tilespmem:s29+$0x80]  }
0x58: {  	v0 =	vadd.f32 v3, v0  }
0x59: {  	v3 =	vld [tilespmem:s29+$0x100]  }
0x5a: {  	v0 =	vadd.f32 v1, v0  }
0x5b: {  	v1 =	vld [tilespmem:s29+$0x180]  }
0x5c: {  	v0 =	vadd.f32 v2, v0  }
0x5d: {  	v2 =	vld [tilespmem:s29+$0x200]  }
0x5e: {  	v0 =	vadd.f32 v3, v0  }
0x5f: {  	v3 =	vld [tilespmem:s29+$0x280]  }
0x60: {  	v0 =	vadd.f32 v1, v0  }
0x61: {  	v1 =	vld [tilespmem:s29+$0x300]  }
0x62: {  	v0 =	vadd.f32 v2, v0  }
0x63: {  	v2 =	vld [tilespmem:s29+$0x380]  }
0x64: {  	v0 =	vadd.f32 v3, v0  }
0x65: {  	v3 =	vld [tilespmem:s29+$0x400]  }
0x66: {  	v0 =	vadd.f32 v1, v0  }
0x67: {  	v1 =	vld [tilespmem:s29+$0x480]  }
0x68: {  	v0 =	vadd.f32 v2, v0;
	_ =	sdelay $0x1  }
0x69: {  	v0 =	vadd.f32 v3, v0;
	_ =	sdelay $0x1  }
0x6a: {  	v0 =	vadd.f32 v1, v0;
	_ =	sdelay $0x1  }
0x6b: {  	v0 =	vmul.f32 $7.213475560e-02, v0  }
0x6c: {  	s30 =	simm.s32 $0x0  }
0x6d: {  	[tilespmem:s30+$0x14B00] =	vst v0  }
0x6e: {  	v0 =	vld [tilespmem:s29+$0xFFFFFB10]  }
0x6f: {  	v1 =	vld [tilespmem:s29+$0xFFFFFB90];
	_ =	sdelay $0x1  }
0x70: {  	v2 =	vld [tilespmem:s29+$0xFFFFFC10];
	_ =	sdelay $0x1  }
0x71: {  	v3 =	vld [tilespmem:s29+$0xFFFFFC90]  }
0x72: {  	v0 =	vadd.f32 v1, v0  }
0x73: {  	v1 =	vld [tilespmem:s29+$0xFFFFFD10]  }
0x74: {  	v0 =	vadd.f32 v2, v0  }
0x75: {  	v2 =	vld [tilespmem:s29+$0xFFFFFD90]  }
0x76: {  	v0 =	vadd.f32 v3, v0  }
0x77: {  	v3 =	vld [tilespmem:s29+$0xFFFFFE10]  }
0x78: {  	v0 =	vadd.f32 v1, v0  }
0x79: {  	v1 =	vld [tilespmem:s29+$0xFFFFFE90]  }
0x7a: {  	v0 =	vadd.f32 v2, v0  }
0x7b: {  	v2 =	vld [tilespmem:s29+$0xFFFFFF10]  }
0x7c: {  	v0 =	vadd.f32 v3, v0  }
0x7d: {  	v3 =	vld [tilespmem:s29+$0xFFFFFF90]  }
0x7e: {  	v0 =	vadd.f32 v1, v0  }
0x7f: {  	v1 =	vld [tilespmem:s29+$0x10]  }
0x80: {  	v0 =	vadd.f32 v2, v0  }
0x81: {  	v2 =	vld [tilespmem:s29+$0x90]  }
0x82: {  	v0 =	vadd.f32 v3, v0  }
0x83: {  	v3 =	vld [tilespmem:s29+$0x110]  }
0x84: {  	v0 =	vadd.f32 v1, v0  }
0x85: {  	v1 =	vld [tilespmem:s29+$0x190]  }
0x86: {  	v0 =	vadd.f32 v2, v0  }
0x87: {  	v2 =	vld [tilespmem:s29+$0x210]  }
0x88: {  	v0 =	vadd.f32 v3, v0  }
0x89: {  	v3 =	vld [tilespmem:s29+$0x290]  }
0x8a: {  	v0 =	vadd.f32 v1, v0  }
0x8b: {  	v1 =	vld [tilespmem:s29+$0x310]  }
0x8c: {  	v0 =	vadd.f32 v2, v0  }
0x8d: {  	v2 =	vld [tilespmem:s29+$0x390]  }
0x8e: {  	v0 =	vadd.f32 v3, v0  }
0x8f: {  	v3 =	vld [tilespmem:s29+$0x410]  }
0x90: {  	v0 =	vadd.f32 v1, v0  }
0x91: {  	v1 =	vld [tilespmem:s29+$0x490]  }
0x92: {  	v0 =	vadd.f32 v2, v0;
	_ =	sdelay $0x1  }
0x93: {  	v0 =	vadd.f32 v3, v0;
	_ =	sdelay $0x1  }
0x94: {  	v0 =	vadd.f32 v1, v0;
	_ =	sdelay $0x1  }
0x95: {  	v0 =	vmul.f32 $7.213475560e-02, v0;
	_ =	sdelay $0x1  }
0x96: {  	[tilespmem:s30+$0x14B10] =	vst v0  }
0x97: {  	v0 =	vld [tilespmem:s29+$0xFFFFFB20]  }
0x98: {  	v1 =	vld [tilespmem:s29+$0xFFFFFBA0];
	_ =	sdelay $0x1  }
0x99: {  	v2 =	vld [tilespmem:s29+$0xFFFFFC20];
	_ =	sdelay $0x1  }
0x9a: {  	v3 =	vld [tilespmem:s29+$0xFFFFFCA0]  }
0x9b: {  	v0 =	vadd.f32 v1, v0  }
0x9c: {  	v1 =	vld [tilespmem:s29+$0xFFFFFD20]  }
0x9d: {  	v0 =	vadd.f32 v2, v0  }
0x9e: {  	v2 =	vld [tilespmem:s29+$0xFFFFFDA0]  }
0x9f: {  	v0 =	vadd.f32 v3, v0  }
0xa0: {  	v3 =	vld [tilespmem:s29+$0xFFFFFE20]  }
0xa1: {  	v0 =	vadd.f32 v1, v0  }
0xa2: {  	v1 =	vld [tilespmem:s29+$0xFFFFFEA0]  }
0xa3: {  	v0 =	vadd.f32 v2, v0  }
0xa4: {  	v2 =	vld [tilespmem:s29+$0xFFFFFF20]  }
0xa5: {  	v0 =	vadd.f32 v3, v0  }
0xa6: {  	v3 =	vld [tilespmem:s29+$0xFFFFFFA0]  }
0xa7: {  	v0 =	vadd.f32 v1, v0  }
0xa8: {  	v1 =	vld [tilespmem:s29+$0x20]  }
0xa9: {  	v0 =	vadd.f32 v2, v0  }
0xaa: {  	v2 =	vld [tilespmem:s29+$0xA0]  }
0xab: {  	v0 =	vadd.f32 v3, v0  }
0xac: {  	v3 =	vld [tilespmem:s29+$0x120]  }
0xad: {  	v0 =	vadd.f32 v1, v0  }
0xae: {  	v1 =	vld [tilespmem:s29+$0x1A0]  }
0xaf: {  	v0 =	vadd.f32 v2, v0  }
0xb0: {  	v2 =	vld [tilespmem:s29+$0x220]  }
0xb1: {  	v0 =	vadd.f32 v3, v0  }
0xb2: {  	v3 =	vld [tilespmem:s29+$0x2A0]  }
0xb3: {  	v0 =	vadd.f32 v1, v0  }
0xb4: {  	v1 =	vld [tilespmem:s29+$0x320]  }
0xb5: {  	v0 =	vadd.f32 v2, v0  }
0xb6: {  	v2 =	vld [tilespmem:s29+$0x3A0]  }
0xb7: {  	v0 =	vadd.f32 v3, v0  }
0xb8: {  	v3 =	vld [tilespmem:s29+$0x420]  }
0xb9: {  	v0 =	vadd.f32 v1, v0  }
0xba: {  	v1 =	vld [tilespmem:s29+$0x4A0]  }
0xbb: {  	v0 =	vadd.f32 v2, v0;
	_ =	sdelay $0x1  }
0xbc: {  	v0 =	vadd.f32 v3, v0;
	_ =	sdelay $0x1  }
0xbd: {  	v0 =	vadd.f32 v1, v0;
	_ =	sdelay $0x1  }
0xbe: {  	v0 =	vmul.f32 $7.213475560e-02, v0;
	_ =	sdelay $0x1  }
0xbf: {  	[tilespmem:s30+$0x14B20] =	vst v0  }
0xc0: {  	v0 =	vld [tilespmem:s29+$0xFFFFFB30]  }
0xc1: {  	v1 =	vld [tilespmem:s29+$0xFFFFFBB0];
	_ =	sdelay $0x1  }
0xc2: {  	v2 =	vld [tilespmem:s29+$0xFFFFFC30];
	_ =	sdelay $0x1  }
0xc3: {  	v3 =	vld [tilespmem:s29+$0xFFFFFCB0]  }
0xc4: {  	v0 =	vadd.f32 v1, v0  }
0xc5: {  	v1 =	vld [tilespmem:s29+$0xFFFFFD30]  }
0xc6: {  	v0 =	vadd.f32 v2, v0  }
0xc7: {  	v2 =	vld [tilespmem:s29+$0xFFFFFDB0]  }
0xc8: {  	v0 =	vadd.f32 v3, v0  }
0xc9: {  	v3 =	vld [tilespmem:s29+$0xFFFFFE30]  }
0xca: {  	v0 =	vadd.f32 v1, v0  }
0xcb: {  	v1 =	vld [tilespmem:s29+$0xFFFFFEB0]  }
0xcc: {  	v0 =	vadd.f32 v2, v0  }
0xcd: {  	v2 =	vld [tilespmem:s29+$0xFFFFFF30]  }
0xce: {  	v0 =	vadd.f32 v3, v0  }
0xcf: {  	v3 =	vld [tilespmem:s29+$0xFFFFFFB0]  }
0xd0: {  	v0 =	vadd.f32 v1, v0  }
0xd1: {  	v1 =	vld [tilespmem:s29+$0x30]  }
0xd2: {  	v0 =	vadd.f32 v2, v0  }
0xd3: {  	v2 =	vld [tilespmem:s29+$0xB0]  }
0xd4: {  	v0 =	vadd.f32 v3, v0  }
0xd5: {  	v3 =	vld [tilespmem:s29+$0x130]  }
0xd6: {  	v0 =	vadd.f32 v1, v0  }
0xd7: {  	v1 =	vld [tilespmem:s29+$0x1B0]  }
0xd8: {  	v0 =	vadd.f32 v2, v0  }
0xd9: {  	v2 =	vld [tilespmem:s29+$0x230]  }
0xda: {  	v0 =	vadd.f32 v3, v0  }
0xdb: {  	v3 =	vld [tilespmem:s29+$0x2B0]  }
0xdc: {  	v0 =	vadd.f32 v1, v0  }
0xdd: {  	v1 =	vld [tilespmem:s29+$0x330]  }
0xde: {  	v0 =	vadd.f32 v2, v0  }
0xdf: {  	v2 =	vld [tilespmem:s29+$0x3B0]  }
0xe0: {  	v0 =	vadd.f32 v3, v0  }
0xe1: {  	v3 =	vld [tilespmem:s29+$0x430]  }
0xe2: {  	v0 =	vadd.f32 v1, v0  }
0xe3: {  	v1 =	vld [tilespmem:s29+$0x4B0]  }
0xe4: {  	v0 =	vadd.f32 v2, v0;
	_ =	sdelay $0x1  }
0xe5: {  	v0 =	vadd.f32 v3, v0;
	_ =	sdelay $0x1  }
0xe6: {  	v0 =	vadd.f32 v1, v0;
	_ =	sdelay $0x1  }
0xe7: {  	v0 =	vmul.f32 $7.213475560e-02, v0;
	_ =	sdelay $0x1  }
0xe8: {  	[tilespmem:s30+$0x14B30] =	vst v0  }
0xe9: {  	v0 =	vld [tilespmem:s29+$0xFFFFFB40]  }
0xea: {  	v1 =	vld [tilespmem:s29+$0xFFFFFBC0];
	_ =	sdelay $0x1  }
0xeb: {  	v2 =	vld [tilespmem:s29+$0xFFFFFC40];
	_ =	sdelay $0x1  }
0xec: {  	v3 =	vld [tilespmem:s29+$0xFFFFFCC0]  }
0xed: {  	v0 =	vadd.f32 v1, v0  }
0xee: {  	v1 =	vld [tilespmem:s29+$0xFFFFFD40]  }
0xef: {  	v0 =	vadd.f32 v2, v0  }
0xf0: {  	v2 =	vld [tilespmem:s29+$0xFFFFFDC0]  }
0xf1: {  	v0 =	vadd.f32 v3, v0  }
0xf2: {  	v3 =	vld [tilespmem:s29+$0xFFFFFE40]  }
0xf3: {  	v0 =	vadd.f32 v1, v0  }
0xf4: {  	v1 =	vld [tilespmem:s29+$0xFFFFFEC0]  }
0xf5: {  	v0 =	vadd.f32 v2, v0  }
0xf6: {  	v2 =	vld [tilespmem:s29+$0xFFFFFF40]  }
0xf7: {  	v0 =	vadd.f32 v3, v0  }
0xf8: {  	v3 =	vld [tilespmem:s29+$0xFFFFFFC0]  }
0xf9: {  	v0 =	vadd.f32 v1, v0  }
0xfa: {  	v1 =	vld [tilespmem:s29+$0x40]  }
0xfb: {  	v0 =	vadd.f32 v2, v0  }
0xfc: {  	v2 =	vld [tilespmem:s29+$0xC0]  }
0xfd: {  	v0 =	vadd.f32 v3, v0  }
0xfe: {  	v3 =	vld [tilespmem:s29+$0x140]  }
0xff: {  	v0 =	vadd.f32 v1, v0  }
0x100: {  	v1 =	vld [tilespmem:s29+$0x1C0]  }
0x101: {  	v0 =	vadd.f32 v2, v0  }
0x102: {  	v2 =	vld [tilespmem:s29+$0x240]  }
0x103: {  	v0 =	vadd.f32 v3, v0  }
0x104: {  	v3 =	vld [tilespmem:s29+$0x2C0]  }
0x105: {  	v0 =	vadd.f32 v1, v0  }
0x106: {  	v1 =	vld [tilespmem:s29+$0x340]  }
0x107: {  	v0 =	vadd.f32 v2, v0  }
0x108: {  	v2 =	vld [tilespmem:s29+$0x3C0]  }
0x109: {  	v0 =	vadd.f32 v3, v0  }
0x10a: {  	v3 =	vld [tilespmem:s29+$0x440]  }
0x10b: {  	v0 =	vadd.f32 v1, v0  }
0x10c: {  	v1 =	vld [tilespmem:s29+$0x4C0]  }
0x10d: {  	v0 =	vadd.f32 v2, v0;
	_ =	sdelay $0x1  }
0x10e: {  	v0 =	vadd.f32 v3, v0;
	_ =	sdelay $0x1  }
0x10f: {  	v0 =	vadd.f32 v1, v0;
	_ =	sdelay $0x1  }
0x110: {  	v0 =	vmul.f32 $7.213475560e-02, v0;
	_ =	sdelay $0x1  }
0x111: {  	[tilespmem:s30+$0x14B40] =	vst v0  }
0x112: {  	v0 =	vld [tilespmem:s29+$0xFFFFFB50]  }
0x113: {  	v1 =	vld [tilespmem:s29+$0xFFFFFBD0];
	_ =	sdelay $0x1  }
0x114: {  	v2 =	vld [tilespmem:s29+$0xFFFFFC50];
	_ =	sdelay $0x1  }
0x115: {  	v3 =	vld [tilespmem:s29+$0xFFFFFCD0]  }
0x116: {  	v0 =	vadd.f32 v1, v0  }
0x117: {  	v1 =	vld [tilespmem:s29+$0xFFFFFD50]  }
0x118: {  	v0 =	vadd.f32 v2, v0  }
0x119: {  	v2 =	vld [tilespmem:s29+$0xFFFFFDD0]  }
0x11a: {  	v0 =	vadd.f32 v3, v0  }
0x11b: {  	v3 =	vld [tilespmem:s29+$0xFFFFFE50]  }
0x11c: {  	v0 =	vadd.f32 v1, v0  }
0x11d: {  	v1 =	vld [tilespmem:s29+$0xFFFFFED0]  }
0x11e: {  	v0 =	vadd.f32 v2, v0  }
0x11f: {  	v2 =	vld [tilespmem:s29+$0xFFFFFF50]  }
0x120: {  	v0 =	vadd.f32 v3, v0  }
0x121: {  	v3 =	vld [tilespmem:s29+$0xFFFFFFD0]  }
0x122: {  	v0 =	vadd.f32 v1, v0  }
0x123: {  	v1 =	vld [tilespmem:s29+$0x50]  }
0x124: {  	v0 =	vadd.f32 v2, v0  }
0x125: {  	v2 =	vld [tilespmem:s29+$0xD0]  }
0x126: {  	v0 =	vadd.f32 v3, v0  }
0x127: {  	v3 =	vld [tilespmem:s29+$0x150]  }
0x128: {  	v0 =	vadd.f32 v1, v0  }
0x129: {  	v1 =	vld [tilespmem:s29+$0x1D0]  }
0x12a: {  	v0 =	vadd.f32 v2, v0  }
0x12b: {  	v2 =	vld [tilespmem:s29+$0x250]  }
0x12c: {  	v0 =	vadd.f32 v3, v0  }
0x12d: {  	v3 =	vld [tilespmem:s29+$0x2D0]  }
0x12e: {  	v0 =	vadd.f32 v1, v0  }
0x12f: {  	v1 =	vld [tilespmem:s29+$0x350]  }
0x130: {  	v0 =	vadd.f32 v2, v0  }
0x131: {  	v2 =	vld [tilespmem:s29+$0x3D0]  }
0x132: {  	v0 =	vadd.f32 v3, v0  }
0x133: {  	v3 =	vld [tilespmem:s29+$0x450]  }
0x134: {  	v0 =	vadd.f32 v1, v0  }
0x135: {  	v1 =	vld [tilespmem:s29+$0x4D0]  }
0x136: {  	v0 =	vadd.f32 v2, v0;
	_ =	sdelay $0x1  }
0x137: {  	v0 =	vadd.f32 v3, v0;
	_ =	sdelay $0x1  }
0x138: {  	v0 =	vadd.f32 v1, v0;
	_ =	sdelay $0x1  }
0x139: {  	v0 =	vmul.f32 $7.213475560e-02, v0;
	_ =	sdelay $0x1  }
0x13a: {  	[tilespmem:s30+$0x14B50] =	vst v0  }
0x13b: {  	v0 =	vld [tilespmem:s29+$0xFFFFFB60]  }
0x13c: {  	v1 =	vld [tilespmem:s29+$0xFFFFFBE0];
	_ =	sdelay $0x1  }
0x13d: {  	v2 =	vld [tilespmem:s29+$0xFFFFFC60];
	_ =	sdelay $0x1  }
0x13e: {  	v3 =	vld [tilespmem:s29+$0xFFFFFCE0]  }
0x13f: {  	v0 =	vadd.f32 v1, v0  }
0x140: {  	v1 =	vld [tilespmem:s29+$0xFFFFFD60]  }
0x141: {  	v0 =	vadd.f32 v2, v0  }
0x142: {  	v2 =	vld [tilespmem:s29+$0xFFFFFDE0]  }
0x143: {  	v0 =	vadd.f32 v3, v0  }
0x144: {  	v3 =	vld [tilespmem:s29+$0xFFFFFE60]  }
0x145: {  	v0 =	vadd.f32 v1, v0  }
0x146: {  	v1 =	vld [tilespmem:s29+$0xFFFFFEE0]  }
0x147: {  	v0 =	vadd.f32 v2, v0  }
0x148: {  	v2 =	vld [tilespmem:s29+$0xFFFFFF60]  }
0x149: {  	v0 =	vadd.f32 v3, v0  }
0x14a: {  	v3 =	vld [tilespmem:s29+$0xFFFFFFE0]  }
0x14b: {  	v0 =	vadd.f32 v1, v0  }
0x14c: {  	v1 =	vld [tilespmem:s29+$0x60]  }
0x14d: {  	v0 =	vadd.f32 v2, v0  }
0x14e: {  	v2 =	vld [tilespmem:s29+$0xE0]  }
0x14f: {  	v0 =	vadd.f32 v3, v0  }
0x150: {  	v3 =	vld [tilespmem:s29+$0x160]  }
0x151: {  	v0 =	vadd.f32 v1, v0  }
0x152: {  	v1 =	vld [tilespmem:s29+$0x1E0]  }
0x153: {  	v0 =	vadd.f32 v2, v0  }
0x154: {  	v2 =	vld [tilespmem:s29+$0x260]  }
0x155: {  	v0 =	vadd.f32 v3, v0  }
0x156: {  	v3 =	vld [tilespmem:s29+$0x2E0]  }
0x157: {  	v0 =	vadd.f32 v1, v0  }
0x158: {  	v1 =	vld [tilespmem:s29+$0x360]  }
0x159: {  	v0 =	vadd.f32 v2, v0  }
0x15a: {  	v2 =	vld [tilespmem:s29+$0x3E0]  }
0x15b: {  	v0 =	vadd.f32 v3, v0  }
0x15c: {  	v3 =	vld [tilespmem:s29+$0x460]  }
0x15d: {  	v0 =	vadd.f32 v1, v0  }
0x15e: {  	v1 =	vld [tilespmem:s29+$0x4E0]  }
0x15f: {  	v0 =	vadd.f32 v2, v0;
	_ =	sdelay $0x1  }
0x160: {  	v0 =	vadd.f32 v3, v0;
	_ =	sdelay $0x1  }
0x161: {  	v0 =	vadd.f32 v1, v0;
	_ =	sdelay $0x1  }
0x162: {  	v0 =	vmul.f32 $7.213475560e-02, v0;
	_ =	sdelay $0x1  }
0x163: {  	[tilespmem:s30+$0x14B60] =	vst v0  }
0x164: {  	v0 =	vld [tilespmem:s29+$0xFFFFFB70]  }
0x165: {  	v1 =	vld [tilespmem:s29+$0xFFFFFBF0];
	_ =	sdelay $0x1  }
0x166: {  	v2 =	vld [tilespmem:s29+$0xFFFFFC70];
	_ =	sdelay $0x1  }
0x167: {  	v3 =	vld [tilespmem:s29+$0xFFFFFCF0]  }
0x168: {  	v0 =	vadd.f32 v1, v0  }
0x169: {  	v1 =	vld [tilespmem:s29+$0xFFFFFD70]  }
0x16a: {  	v0 =	vadd.f32 v2, v0  }
0x16b: {  	v2 =	vld [tilespmem:s29+$0xFFFFFDF0]  }
0x16c: {  	v0 =	vadd.f32 v3, v0  }
0x16d: {  	v3 =	vld [tilespmem:s29+$0xFFFFFE70]  }
0x16e: {  	v0 =	vadd.f32 v1, v0  }
0x16f: {  	v1 =	vld [tilespmem:s29+$0xFFFFFEF0]  }
0x170: {  	v0 =	vadd.f32 v2, v0  }
0x171: {  	v2 =	vld [tilespmem:s29+$0xFFFFFF70]  }
0x172: {  	v0 =	vadd.f32 v3, v0  }
0x173: {  	v3 =	vld [tilespmem:s29+$0xFFFFFFF0]  }
0x174: {  	v0 =	vadd.f32 v1, v0  }
0x175: {  	v1 =	vld [tilespmem:s29+$0x70]  }
0x176: {  	v0 =	vadd.f32 v2, v0  }
0x177: {  	v2 =	vld [tilespmem:s29+$0xF0]  }
0x178: {  	v0 =	vadd.f32 v3, v0  }
0x179: {  	v3 =	vld [tilespmem:s29+$0x170]  }
0x17a: {  	v0 =	vadd.f32 v1, v0  }
0x17b: {  	v1 =	vld [tilespmem:s29+$0x1F0]  }
0x17c: {  	v0 =	vadd.f32 v2, v0  }
0x17d: {  	v2 =	vld [tilespmem:s29+$0x270]  }
0x17e: {  	v0 =	vadd.f32 v3, v0  }
0x17f: {  	v3 =	vld [tilespmem:s29+$0x2F0]  }
0x180: {  	v0 =	vadd.f32 v1, v0  }
0x181: {  	v4 =	vld [tilespmem:s29+$0x370]  }
0x182: {  	v0 =	vadd.f32 v2, v0  }
0x183: {  	v2 =	vld [tilespmem:s29+$0x3F0]  }
0x184: {  	v3 =	vadd.f32 v3, v0  }
0x185: {  	v0 =	vld [tilespmem:s29+$0x470]  }
0x186: {  	s31 =	simm.s32 $0x200;
	v1 =	vld [tilespmem:s29+$0x4F0];
	v3 =	vadd.f32 v4, v3  }
.LBB2_3:
0x187: {  	p0 =	sne.s32 s31, $0x3E00  }
0x188: {  	s29 =	sadd.s32 $0xA00, s29;
	s1 =	smov.u32 s31;
	s31 =	sadd.s32 $0x200, s31;
	v2 =	vadd.f32 v2, v3  }
0x189: {  	_ = 	snop  }
0x18a: {  	v0 =	vadd.f32 v0, v2;
	_ =	sdelay $0x1  }
0x18b: {  	v0 =	vadd.f32 v1, v0;
	_ =	sdelay $0x1  }
0x18c: {  	v0 =	vmul.f32 $7.213475560e-02, v0;
	_ =	sdelay $0x1  }
0x18d: {  	[tilespmem:s30+$0x14B70] =	vst v0  }
0x18e: {  	v0 =	vld [tilespmem:s29+$0xFFFFFB80]  }
0x18f: {  	v1 =	vld [tilespmem:s29+$0xFFFFFB00]  }
0x190: {  	v2 =	vld [tilespmem:s29+$0xFFFFFC00];
	_ =	sdelay $0x2  }
0x191: {  	v3 =	vld [tilespmem:s29+$0xFFFFFC80]  }
0x192: {  	v0 =	vadd.f32 v0, v1  }
0x193: {  	v1 =	vld [tilespmem:s29+$0xFFFFFD00]  }
0x194: {  	v0 =	vadd.f32 v2, v0  }
0x195: {  	v2 =	vld [tilespmem:s29+$0xFFFFFD80]  }
0x196: {  	v0 =	vadd.f32 v3, v0  }
0x197: {  	v3 =	vld [tilespmem:s29+$0xFFFFFE00]  }
0x198: {  	v0 =	vadd.f32 v1, v0  }
0x199: {  	v1 =	vld [tilespmem:s29+$0xFFFFFE80]  }
0x19a: {  	v0 =	vadd.f32 v2, v0  }
0x19b: {  	v2 =	vld [tilespmem:s29+$0xFFFFFF00]  }
0x19c: {  	v0 =	vadd.f32 v3, v0  }
0x19d: {  	v3 =	vld [tilespmem:s29+$0xFFFFFF80]  }
0x19e: {  	v0 =	vadd.f32 v1, v0  }
0x19f: {  	v1 =	vld [tilespmem:s29+$0x0]  }
0x1a0: {  	v0 =	vadd.f32 v2, v0  }
0x1a1: {  	v2 =	vld [tilespmem:s29+$0x80]  }
0x1a2: {  	v0 =	vadd.f32 v3, v0  }
0x1a3: {  	v3 =	vld [tilespmem:s29+$0x100]  }
0x1a4: {  	v0 =	vadd.f32 v1, v0  }
0x1a5: {  	v1 =	vld [tilespmem:s29+$0x180]  }
0x1a6: {  	v0 =	vadd.f32 v2, v0  }
0x1a7: {  	v2 =	vld [tilespmem:s29+$0x200]  }
0x1a8: {  	v0 =	vadd.f32 v3, v0  }
0x1a9: {  	v3 =	vld [tilespmem:s29+$0x280]  }
0x1aa: {  	v0 =	vadd.f32 v1, v0  }
0x1ab: {  	v1 =	vld [tilespmem:s29+$0x300]  }
0x1ac: {  	v0 =	vadd.f32 v2, v0  }
0x1ad: {  	v2 =	vld [tilespmem:s29+$0x380]  }
0x1ae: {  	v0 =	vadd.f32 v3, v0  }
0x1af: {  	v3 =	vld [tilespmem:s29+$0x400]  }
0x1b0: {  	v0 =	vadd.f32 v1, v0  }
0x1b1: {  	v1 =	vld [tilespmem:s29+$0x480]  }
0x1b2: {  	v0 =	vadd.f32 v2, v0;
	_ =	sdelay $0x1  }
0x1b3: {  	v0 =	vadd.f32 v3, v0;
	_ =	sdelay $0x1  }
0x1b4: {  	v0 =	vadd.f32 v1, v0;
	_ =	sdelay $0x1  }
0x1b5: {  	v0 =	vmul.f32 $7.213475560e-02, v0  }
0x1b6: {  	s30 =	sshra.s32 s1, $0x2  }
0x1b7: {  	[tilespmem:s30+$0x14B00] =	vst v0  }
0x1b8: {  	v0 =	vld [tilespmem:s29+$0xFFFFFB10]  }
0x1b9: {  	v1 =	vld [tilespmem:s29+$0xFFFFFB90];
	_ =	sdelay $0x1  }
0x1ba: {  	v2 =	vld [tilespmem:s29+$0xFFFFFC10];
	_ =	sdelay $0x1  }
0x1bb: {  	v3 =	vld [tilespmem:s29+$0xFFFFFC90]  }
0x1bc: {  	v0 =	vadd.f32 v1, v0  }
0x1bd: {  	v1 =	vld [tilespmem:s29+$0xFFFFFD10]  }
0x1be: {  	v0 =	vadd.f32 v2, v0  }
0x1bf: {  	v2 =	vld [tilespmem:s29+$0xFFFFFD90]  }
0x1c0: {  	v0 =	vadd.f32 v3, v0  }
0x1c1: {  	v3 =	vld [tilespmem:s29+$0xFFFFFE10]  }
0x1c2: {  	v0 =	vadd.f32 v1, v0  }
0x1c3: {  	v1 =	vld [tilespmem:s29+$0xFFFFFE90]  }
0x1c4: {  	v0 =	vadd.f32 v2, v0  }
0x1c5: {  	v2 =	vld [tilespmem:s29+$0xFFFFFF10]  }
0x1c6: {  	v0 =	vadd.f32 v3, v0  }
0x1c7: {  	v3 =	vld [tilespmem:s29+$0xFFFFFF90]  }
0x1c8: {  	v0 =	vadd.f32 v1, v0  }
0x1c9: {  	v1 =	vld [tilespmem:s29+$0x10]  }
0x1ca: {  	v0 =	vadd.f32 v2, v0  }
0x1cb: {  	v2 =	vld [tilespmem:s29+$0x90]  }
0x1cc: {  	v0 =	vadd.f32 v3, v0  }
0x1cd: {  	v3 =	vld [tilespmem:s29+$0x110]  }
0x1ce: {  	v0 =	vadd.f32 v1, v0  }
0x1cf: {  	v1 =	vld [tilespmem:s29+$0x190]  }
0x1d0: {  	v0 =	vadd.f32 v2, v0  }
0x1d1: {  	v2 =	vld [tilespmem:s29+$0x210]  }
0x1d2: {  	v0 =	vadd.f32 v3, v0  }
0x1d3: {  	v3 =	vld [tilespmem:s29+$0x290]  }
0x1d4: {  	v0 =	vadd.f32 v1, v0  }
0x1d5: {  	v1 =	vld [tilespmem:s29+$0x310]  }
0x1d6: {  	v0 =	vadd.f32 v2, v0  }
0x1d7: {  	v2 =	vld [tilespmem:s29+$0x390]  }
0x1d8: {  	v0 =	vadd.f32 v3, v0  }
0x1d9: {  	v3 =	vld [tilespmem:s29+$0x410]  }
0x1da: {  	v0 =	vadd.f32 v1, v0  }
0x1db: {  	v1 =	vld [tilespmem:s29+$0x490]  }
0x1dc: {  	v0 =	vadd.f32 v2, v0;
	_ =	sdelay $0x1  }
0x1dd: {  	v0 =	vadd.f32 v3, v0;
	_ =	sdelay $0x1  }
0x1de: {  	v0 =	vadd.f32 v1, v0;
	_ =	sdelay $0x1  }
0x1df: {  	v0 =	vmul.f32 $7.213475560e-02, v0;
	_ =	sdelay $0x1  }
0x1e0: {  	[tilespmem:s30+$0x14B10] =	vst v0  }
0x1e1: {  	v0 =	vld [tilespmem:s29+$0xFFFFFB20]  }
0x1e2: {  	v1 =	vld [tilespmem:s29+$0xFFFFFBA0];
	_ =	sdelay $0x1  }
0x1e3: {  	v2 =	vld [tilespmem:s29+$0xFFFFFC20];
	_ =	sdelay $0x1  }
0x1e4: {  	v3 =	vld [tilespmem:s29+$0xFFFFFCA0]  }
0x1e5: {  	v0 =	vadd.f32 v1, v0  }
0x1e6: {  	v1 =	vld [tilespmem:s29+$0xFFFFFD20]  }
0x1e7: {  	v0 =	vadd.f32 v2, v0  }
0x1e8: {  	v2 =	vld [tilespmem:s29+$0xFFFFFDA0]  }
0x1e9: {  	v0 =	vadd.f32 v3, v0  }
0x1ea: {  	v3 =	vld [tilespmem:s29+$0xFFFFFE20]  }
0x1eb: {  	v0 =	vadd.f32 v1, v0  }
0x1ec: {  	v1 =	vld [tilespmem:s29+$0xFFFFFEA0]  }
0x1ed: {  	v0 =	vadd.f32 v2, v0  }
0x1ee: {  	v2 =	vld [tilespmem:s29+$0xFFFFFF20]  }
0x1ef: {  	v0 =	vadd.f32 v3, v0  }
0x1f0: {  	v3 =	vld [tilespmem:s29+$0xFFFFFFA0]  }
0x1f1: {  	v0 =	vadd.f32 v1, v0  }
0x1f2: {  	v1 =	vld [tilespmem:s29+$0x20]  }
0x1f3: {  	v0 =	vadd.f32 v2, v0  }
0x1f4: {  	v2 =	vld [tilespmem:s29+$0xA0]  }
0x1f5: {  	v0 =	vadd.f32 v3, v0  }
0x1f6: {  	v3 =	vld [tilespmem:s29+$0x120]  }
0x1f7: {  	v0 =	vadd.f32 v1, v0  }
0x1f8: {  	v1 =	vld [tilespmem:s29+$0x1A0]  }
0x1f9: {  	v0 =	vadd.f32 v2, v0  }
0x1fa: {  	v2 =	vld [tilespmem:s29+$0x220]  }
0x1fb: {  	v0 =	vadd.f32 v3, v0  }
0x1fc: {  	v3 =	vld [tilespmem:s29+$0x2A0]  }
0x1fd: {  	v0 =	vadd.f32 v1, v0  }
0x1fe: {  	v1 =	vld [tilespmem:s29+$0x320]  }
0x1ff: {  	v0 =	vadd.f32 v2, v0  }
0x200: {  	v2 =	vld [tilespmem:s29+$0x3A0]  }
0x201: {  	v0 =	vadd.f32 v3, v0  }
0x202: {  	v3 =	vld [tilespmem:s29+$0x420]  }
0x203: {  	v0 =	vadd.f32 v1, v0  }
0x204: {  	v1 =	vld [tilespmem:s29+$0x4A0]  }
0x205: {  	v0 =	vadd.f32 v2, v0;
	_ =	sdelay $0x1  }
0x206: {  	v0 =	vadd.f32 v3, v0;
	_ =	sdelay $0x1  }
0x207: {  	v0 =	vadd.f32 v1, v0;
	_ =	sdelay $0x1  }
0x208: {  	v0 =	vmul.f32 $7.213475560e-02, v0;
	_ =	sdelay $0x1  }
0x209: {  	[tilespmem:s30+$0x14B20] =	vst v0  }
0x20a: {  	v0 =	vld [tilespmem:s29+$0xFFFFFB30]  }
0x20b: {  	v1 =	vld [tilespmem:s29+$0xFFFFFBB0];
	_ =	sdelay $0x1  }
0x20c: {  	v2 =	vld [tilespmem:s29+$0xFFFFFC30];
	_ =	sdelay $0x1  }
0x20d: {  	v3 =	vld [tilespmem:s29+$0xFFFFFCB0]  }
0x20e: {  	v0 =	vadd.f32 v1, v0  }
0x20f: {  	v1 =	vld [tilespmem:s29+$0xFFFFFD30]  }
0x210: {  	v0 =	vadd.f32 v2, v0  }
0x211: {  	v2 =	vld [tilespmem:s29+$0xFFFFFDB0]  }
0x212: {  	v0 =	vadd.f32 v3, v0  }
0x213: {  	v3 =	vld [tilespmem:s29+$0xFFFFFE30]  }
0x214: {  	v0 =	vadd.f32 v1, v0  }
0x215: {  	v1 =	vld [tilespmem:s29+$0xFFFFFEB0]  }
0x216: {  	v0 =	vadd.f32 v2, v0  }
0x217: {  	v2 =	vld [tilespmem:s29+$0xFFFFFF30]  }
0x218: {  	v0 =	vadd.f32 v3, v0  }
0x219: {  	v3 =	vld [tilespmem:s29+$0xFFFFFFB0]  }
0x21a: {  	v0 =	vadd.f32 v1, v0  }
0x21b: {  	v1 =	vld [tilespmem:s29+$0x30]  }
0x21c: {  	v0 =	vadd.f32 v2, v0  }
0x21d: {  	v2 =	vld [tilespmem:s29+$0xB0]  }
0x21e: {  	v0 =	vadd.f32 v3, v0  }
0x21f: {  	v3 =	vld [tilespmem:s29+$0x130]  }
0x220: {  	v0 =	vadd.f32 v1, v0  }
0x221: {  	v1 =	vld [tilespmem:s29+$0x1B0]  }
0x222: {  	v0 =	vadd.f32 v2, v0  }
0x223: {  	v2 =	vld [tilespmem:s29+$0x230]  }
0x224: {  	v0 =	vadd.f32 v3, v0  }
0x225: {  	v3 =	vld [tilespmem:s29+$0x2B0]  }
0x226: {  	v0 =	vadd.f32 v1, v0  }
0x227: {  	v1 =	vld [tilespmem:s29+$0x330]  }
0x228: {  	v0 =	vadd.f32 v2, v0  }
0x229: {  	v2 =	vld [tilespmem:s29+$0x3B0]  }
0x22a: {  	v0 =	vadd.f32 v3, v0  }
0x22b: {  	v3 =	vld [tilespmem:s29+$0x430]  }
0x22c: {  	v0 =	vadd.f32 v1, v0  }
0x22d: {  	v1 =	vld [tilespmem:s29+$0x4B0]  }
0x22e: {  	v0 =	vadd.f32 v2, v0;
	_ =	sdelay $0x1  }
0x22f: {  	v0 =	vadd.f32 v3, v0;
	_ =	sdelay $0x1  }
0x230: {  	v0 =	vadd.f32 v1, v0;
	_ =	sdelay $0x1  }
0x231: {  	v0 =	vmul.f32 $7.213475560e-02, v0;
	_ =	sdelay $0x1  }
0x232: {  	[tilespmem:s30+$0x14B30] =	vst v0  }
0x233: {  	v0 =	vld [tilespmem:s29+$0xFFFFFB40]  }
0x234: {  	v1 =	vld [tilespmem:s29+$0xFFFFFBC0];
	_ =	sdelay $0x1  }
0x235: {  	v2 =	vld [tilespmem:s29+$0xFFFFFC40];
	_ =	sdelay $0x1  }
0x236: {  	v3 =	vld [tilespmem:s29+$0xFFFFFCC0]  }
0x237: {  	v0 =	vadd.f32 v1, v0  }
0x238: {  	v1 =	vld [tilespmem:s29+$0xFFFFFD40]  }
0x239: {  	v0 =	vadd.f32 v2, v0  }
0x23a: {  	v2 =	vld [tilespmem:s29+$0xFFFFFDC0]  }
0x23b: {  	v0 =	vadd.f32 v3, v0  }
0x23c: {  	v3 =	vld [tilespmem:s29+$0xFFFFFE40]  }
0x23d: {  	v0 =	vadd.f32 v1, v0  }
0x23e: {  	v1 =	vld [tilespmem:s29+$0xFFFFFEC0]  }
0x23f: {  	v0 =	vadd.f32 v2, v0  }
0x240: {  	v2 =	vld [tilespmem:s29+$0xFFFFFF40]  }
0x241: {  	v0 =	vadd.f32 v3, v0  }
0x242: {  	v3 =	vld [tilespmem:s29+$0xFFFFFFC0]  }
0x243: {  	v0 =	vadd.f32 v1, v0  }
0x244: {  	v1 =	vld [tilespmem:s29+$0x40]  }
0x245: {  	v0 =	vadd.f32 v2, v0  }
0x246: {  	v2 =	vld [tilespmem:s29+$0xC0]  }
0x247: {  	v0 =	vadd.f32 v3, v0  }
0x248: {  	v3 =	vld [tilespmem:s29+$0x140]  }
0x249: {  	v0 =	vadd.f32 v1, v0  }
0x24a: {  	v1 =	vld [tilespmem:s29+$0x1C0]  }
0x24b: {  	v0 =	vadd.f32 v2, v0  }
0x24c: {  	v2 =	vld [tilespmem:s29+$0x240]  }
0x24d: {  	v0 =	vadd.f32 v3, v0  }
0x24e: {  	v3 =	vld [tilespmem:s29+$0x2C0]  }
0x24f: {  	v0 =	vadd.f32 v1, v0  }
0x250: {  	v1 =	vld [tilespmem:s29+$0x340]  }
0x251: {  	v0 =	vadd.f32 v2, v0  }
0x252: {  	v2 =	vld [tilespmem:s29+$0x3C0]  }
0x253: {  	v0 =	vadd.f32 v3, v0  }
0x254: {  	v3 =	vld [tilespmem:s29+$0x440]  }
0x255: {  	v0 =	vadd.f32 v1, v0  }
0x256: {  	v1 =	vld [tilespmem:s29+$0x4C0]  }
0x257: {  	v0 =	vadd.f32 v2, v0;
	_ =	sdelay $0x1  }
0x258: {  	v0 =	vadd.f32 v3, v0;
	_ =	sdelay $0x1  }
0x259: {  	v0 =	vadd.f32 v1, v0;
	_ =	sdelay $0x1  }
0x25a: {  	v0 =	vmul.f32 $7.213475560e-02, v0;
	_ =	sdelay $0x1  }
0x25b: {  	[tilespmem:s30+$0x14B40] =	vst v0  }
0x25c: {  	v0 =	vld [tilespmem:s29+$0xFFFFFB50]  }
0x25d: {  	v1 =	vld [tilespmem:s29+$0xFFFFFBD0]  }
0x25e: {  	v2 =	vld [tilespmem:s29+$0xFFFFFC50]  }
0x25f: {  	v3 =	vld [tilespmem:s29+$0xFFFFFCD0]  }
0x260: {  	v4 =	vld [tilespmem:s29+$0xFFFFFD50]  }
0x261: {  	v5 =	vld [tilespmem:s29+$0xFFFFFDD0]  }
0x262: {  	v0 =	vadd.f32 v1, v0;
	v1 =	vld [tilespmem:s29+$0xFFFFFE50]  }
0x263: {  	v6 =	vld [tilespmem:s29+$0xFFFFFED0]  }
0x264: {  	v0 =	vadd.f32 v2, v0;
	v2 =	vld [tilespmem:s29+$0xFFFFFF50]  }
0x265: {  	v7 =	vld [tilespmem:s29+$0xFFFFFFD0]  }
0x266: {  	v0 =	vadd.f32 v3, v0;
	v3 =	vld [tilespmem:s29+$0x50]  }
0x267: {  	v8 =	vld [tilespmem:s29+$0xD0]  }
0x268: {  	v0 =	vadd.f32 v4, v0;
	v4 =	vld [tilespmem:s29+$0x150]  }
0x269: {  	v9 =	vld [tilespmem:s29+$0x1D0]  }
0x26a: {  	v0 =	vadd.f32 v5, v0;
	v5 =	vld [tilespmem:s29+$0x250]  }
0x26b: {  	v10 =	vld [tilespmem:s29+$0x2D0]  }
0x26c: {  	v0 =	vadd.f32 v1, v0;
	v1 =	vld [tilespmem:s29+$0x350]  }
0x26d: {  	v11 =	vld [tilespmem:s29+$0x3D0]  }
0x26e: {  	v0 =	vadd.f32 v6, v0;
	v6 =	vld [tilespmem:s29+$0x450]  }
0x26f: {  	v12 =	vld [tilespmem:s29+$0x4D0]  }
0x270: {  	v0 =	vadd.f32 v2, v0;
	_ =	sdelay $0x1  }
0x271: {  	v0 =	vadd.f32 v7, v0;
	_ =	sdelay $0x1  }
0x272: {  	v0 =	vadd.f32 v3, v0;
	_ =	sdelay $0x1  }
0x273: {  	v0 =	vadd.f32 v8, v0;
	_ =	sdelay $0x1  }
0x274: {  	v0 =	vadd.f32 v4, v0;
	_ =	sdelay $0x1  }
0x275: {  	v0 =	vadd.f32 v9, v0;
	_ =	sdelay $0x1  }
0x276: {  	v0 =	vadd.f32 v5, v0;
	_ =	sdelay $0x1  }
0x277: {  	v0 =	vadd.f32 v10, v0;
	_ =	sdelay $0x1  }
0x278: {  	v0 =	vadd.f32 v1, v0;
	_ =	sdelay $0x1  }
0x279: {  	v0 =	vadd.f32 v11, v0;
	_ =	sdelay $0x1  }
0x27a: {  	v0 =	vadd.f32 v6, v0;
	_ =	sdelay $0x1  }
0x27b: {  	v0 =	vadd.f32 v12, v0;
	_ =	sdelay $0x1  }
0x27c: {  	v0 =	vmul.f32 $7.213475560e-02, v0;
	_ =	sdelay $0x1  }
0x27d: {  	[tilespmem:s30+$0x14B50] =	vst v0  }
0x27e: {  	v0 =	vld [tilespmem:s29+$0xFFFFFB60]  }
0x27f: {  	v1 =	vld [tilespmem:s29+$0xFFFFFBE0]  }
0x280: {  	v2 =	vld [tilespmem:s29+$0xFFFFFC60]  }
0x281: {  	v3 =	vld [tilespmem:s29+$0xFFFFFCE0]  }
0x282: {  	v4 =	vld [tilespmem:s29+$0xFFFFFD60]  }
0x283: {  	v5 =	vld [tilespmem:s29+$0xFFFFFDE0]  }
0x284: {  	v0 =	vadd.f32 v1, v0;
	v1 =	vld [tilespmem:s29+$0xFFFFFE60]  }
0x285: {  	v6 =	vld [tilespmem:s29+$0xFFFFFEE0]  }
0x286: {  	v0 =	vadd.f32 v2, v0;
	v2 =	vld [tilespmem:s29+$0xFFFFFF60]  }
0x287: {  	v7 =	vld [tilespmem:s29+$0xFFFFFFE0]  }
0x288: {  	v0 =	vadd.f32 v3, v0;
	v3 =	vld [tilespmem:s29+$0x60]  }
0x289: {  	v8 =	vld [tilespmem:s29+$0xE0]  }
0x28a: {  	v0 =	vadd.f32 v4, v0;
	v4 =	vld [tilespmem:s29+$0x160]  }
0x28b: {  	v9 =	vld [tilespmem:s29+$0x1E0]  }
0x28c: {  	v0 =	vadd.f32 v5, v0;
	v5 =	vld [tilespmem:s29+$0x260]  }
0x28d: {  	v10 =	vld [tilespmem:s29+$0x2E0]  }
0x28e: {  	v0 =	vadd.f32 v1, v0;
	v1 =	vld [tilespmem:s29+$0x360]  }
0x28f: {  	v11 =	vld [tilespmem:s29+$0x3E0]  }
0x290: {  	v0 =	vadd.f32 v6, v0;
	v6 =	vld [tilespmem:s29+$0x460]  }
0x291: {  	v12 =	vld [tilespmem:s29+$0x4E0]  }
0x292: {  	v0 =	vadd.f32 v2, v0;
	_ =	sdelay $0x1  }
0x293: {  	v0 =	vadd.f32 v7, v0;
	_ =	sdelay $0x1  }
0x294: {  	v0 =	vadd.f32 v3, v0;
	_ =	sdelay $0x1  }
0x295: {  	v0 =	vadd.f32 v8, v0;
	_ =	sdelay $0x1  }
0x296: {  	v0 =	vadd.f32 v4, v0;
	_ =	sdelay $0x1  }
0x297: {  	v0 =	vadd.f32 v9, v0;
	_ =	sdelay $0x1  }
0x298: {  	v0 =	vadd.f32 v5, v0;
	_ =	sdelay $0x1  }
0x299: {  	v0 =	vadd.f32 v10, v0;
	_ =	sdelay $0x1  }
0x29a: {  	v0 =	vadd.f32 v1, v0;
	_ =	sdelay $0x1  }
0x29b: {  	v0 =	vadd.f32 v11, v0;
	_ =	sdelay $0x1  }
0x29c: {  	v0 =	vadd.f32 v6, v0;
	_ =	sdelay $0x1  }
0x29d: {  	v0 =	vadd.f32 v12, v0;
	_ =	sdelay $0x1  }
0x29e: {  	v0 =	vmul.f32 $7.213475560e-02, v0;
	_ =	sdelay $0x1  }
0x29f: {  	[tilespmem:s30+$0x14B60] =	vst v0  }
0x2a0: {  	v0 =	vld [tilespmem:s29+$0xFFFFFB70]  }
0x2a1: {  	v1 =	vld [tilespmem:s29+$0xFFFFFBF0]  }
0x2a2: {  	v2 =	vld [tilespmem:s29+$0xFFFFFC70]  }
0x2a3: {  	v3 =	vld [tilespmem:s29+$0xFFFFFCF0]  }
0x2a4: {  	v4 =	vld [tilespmem:s29+$0xFFFFFD70]  }
0x2a5: {  	v5 =	vld [tilespmem:s29+$0xFFFFFDF0]  }
0x2a6: {  	v0 =	vadd.f32 v1, v0;
	v1 =	vld [tilespmem:s29+$0xFFFFFE70]  }
0x2a7: {  	v6 =	vld [tilespmem:s29+$0xFFFFFEF0]  }
0x2a8: {  	v0 =	vadd.f32 v2, v0;
	v7 =	vld [tilespmem:s29+$0xFFFFFF70]  }
0x2a9: {  	v8 =	vld [tilespmem:s29+$0xFFFFFFF0]  }
0x2aa: {  	v0 =	vadd.f32 v3, v0;
	v3 =	vld [tilespmem:s29+$0x70]  }
0x2ab: {  	v9 =	vld [tilespmem:s29+$0xF0]  }
0x2ac: {  	v0 =	vadd.f32 v4, v0;
	v4 =	vld [tilespmem:s29+$0x170]  }
0x2ad: {  	v10 =	vld [tilespmem:s29+$0x1F0]  }
0x2ae: {  	v0 =	vadd.f32 v5, v0;
	v5 =	vld [tilespmem:s29+$0x270]  }
0x2af: {  	v11 =	vld [tilespmem:s29+$0x2F0]  }
0x2b0: {  	v0 =	vadd.f32 v1, v0;
	v12 =	vld [tilespmem:s29+$0x370]  }
0x2b1: {  	v2 =	vld [tilespmem:s29+$0x3F0]  }
0x2b2: {  	v6 =	vadd.f32 v6, v0;
	v0 =	vld [tilespmem:s29+$0x470]  }
0x2b3: {  	v1 =	vld [tilespmem:s29+$0x4F0]  }
0x2b4: {  	v6 =	vadd.f32 v7, v6;
	_ =	sdelay $0x1  }
0x2b5: {  	v6 =	vadd.f32 v8, v6;
	_ =	sdelay $0x1  }
0x2b6: {  	v3 =	vadd.f32 v3, v6;
	_ =	sdelay $0x1  }
0x2b7: {  	v3 =	vadd.f32 v9, v3;
	_ =	sdelay $0x1  }
0x2b8: {  	v3 =	vadd.f32 v4, v3;
	_ =	sdelay $0x1  }
0x2b9: {  	v3 =	vadd.f32 v10, v3;
	_ =	sdelay $0x1  }
.Ltmp0:
0x2ba: {  	v3 =	vadd.f32 v5, v3;
	(pc) =	sbr.rel @p0 .LBB2_3-.Ltmp0, $3  }
0x2bb: {  	_ = 	snop  }
0x2bc: {  	v3 =	vadd.f32 v11, v3;
	_ =	sdelay $0x1  }
0x2bd: {  	v3 =	vadd.f32 v12, v3  }
0x2be: {  	_ = 	snop  }
0x2bf: {  	v2 =	vadd.f32 v2, v3;
	_ =	sdelay $0x1  }
0x2c0: {  	v0 =	vadd.f32 v0, v2;
	_ =	sdelay $0x1  }
0x2c1: {  	v0 =	vadd.f32 v1, v0;
	_ =	sdelay $0x1  }
0x2c2: {  	s1 =	sshll.u32 s28, $0x9;
	s28 =	sadd.s32 $0x1, s28;
	v0 =	vmul.f32 $7.213475560e-02, v0  }
0x2c3: {  	p0 =	sne.s32 s28, $0x4  }
.Ltmp1:
0x2c4: {  	s1 =	sadd.s32 s1, s8;
	[tilespmem:s30+$0x14B70] =	vst v0;
	(pc) =	sbr.rel @p0 .LBB2_2-.Ltmp1, $4  }
0x2c5: {  	[hbm4b:s1+s4] =	stream.linear.scatter [tilespmem:s24], [sflag:$0x3], $0x1000, $0x38;
	[tilespmem:$0x1DB00] =	vst v63  }
0x2c6: {  	_ =	swait.ge [sflag:s12], $0x1000  }
0x2c7: {  	[sflag:s12] =	ssyncset.done $0x0  }
0x2c8: {  	[sflag:s12] =	ssyncadd.s32 $0xFFFFF000  }
0x2c9: {  	_ =	swait.ge [sflag:s25], $0x4000  }
0x2ca: {  	[sflag:s25] =	ssyncset.done $0x0  }
0x2cb: {  	[sflag:s25] =	ssyncadd.s32 $0xFFFFC000  }
0x2cc: {  	_ =	swait.ge [sflag:s25], $0x4000  }
0x2cd: {  	[sflag:s25] =	ssyncset.done $0x0  }
0x2ce: {  	[sflag:s25] =	ssyncadd.s32 $0xFFFFC000  }
0x2cf: {  	[hbm4b:s9+s4] =	stream.linear.scatter [tilespmem:s15], [sflag:$0x3], $0x4000, $0x38;
	[tilespmem:$0x1DB00] =	vst v63  }
0x2d0: {  	s26 =	sadd.s32 $0x1, s26;
	_ =	swait.ge [sflag:s12], $0x4000  }
0x2d1: {  	p0 =	sne.s32 s26, s11;
	[sflag:s12] =	ssyncset.done $0x0  }
.Ltmp2:
0x2d2: {  	[sflag:s12] =	ssyncadd.s32 $0xFFFFC000;
	(pc) =	sbr.rel @p0 .LBB2_1-.Ltmp2, $4  }
0x2d3: {  	[hbm4b:s10+s4] =	stream.linear.scatter [tilespmem:s17], [sflag:$0x3], $0x4000, $0x38;
	[tilespmem:$0x1DB00] =	vst v63  }
0x2d4: {  	_ =	swait.ge [sflag:s12], $0x4000  }
0x2d5: {  	[sflag:s12] =	ssyncset.done $0x0  }
0x2d6: {  	[sflag:s12] =	ssyncadd.s32 $0xFFFFC000  }
0x2d7: {  	_ =	sfence.sel $0x180000  }
0x2d8: {  	[bflag:$0x0] =	sbarrier.arrive $0xFFFF  }
0x2d9: {  	_ =	strace $0x90000047  }
0x2da: {  	[bflag:$0x2] =	sbarrier.arrive $0xFFFF  }
0x2db: {  	p0 =	sne.s32 s0, $0x0;
	s0 =	rddreg [dreg:$0x4]  }
0x2dc: {  	s0 =	sadd.s32 @!p0 $0x100000, s0  }
0x2dd: {  	[sflag:s0] =	ssyncadd.tile.s32 @!p0 $0x1;
	_ =	shalt  }
.Lfunc_end2:
_tile_overlayer_lowered:
.L_overlay_start_2:
0x2de: {  	(tag) =	ssettag $0x2  }
0x2df: {  	s0 =	rddreg [dreg:$0x0];
	s2 =	stileid.u32  }
0x2e0: {  	s1 =	rddreg [dreg:$0x1];
	p0 =	sne.s32 s2, $0x0  }
0x2e1: {  	s3 =	rddreg [dreg:$0x2];
	[bflag:$0x3] =	sbarrier.arrive $0xFFFF;
	s2 =	simm.s32 @!p0 $0x1C03  }
0x2e2: {  	[timem:s3], [sflag:s2] =	dma.local @!p0 [hbm:s0], s1  }
0x2e3: {  	s0 =	simm.s32 @!p0 $0x3  }
0x2e4: {  	_ =	swait.ge @!p0 [sflag:s0], s1  }
0x2e5: {  	s1 =	ssub.s32 @!p0 $0x0, s1;
	[sflag:s0] =	ssyncset.done @!p0 $0x0  }
0x2e6: {  	[sflag:s0] =	ssyncadd.s32 @!p0 s1  }
0x2e7: {  	[bflag:$0x3] =	sbarrier.arrive $0xFFFF  }
0x2e8: {  	_ =	shalt  }

</sc_bundles>
